<compile_context>
chip_gen: v7x
topology: tpu7x:2x2x1
jax: 0.10.2.dev20260603
libtpu: 0.0.44.dev20260713+nightly
codegen_flags: <defaults>
</compile_context>

<pallas_src>
import functools

import jax
import jax.numpy as jnp
from jax import lax
from jax.experimental import pallas as pl
from jax.experimental.pallas import tpu as pltpu
from jax.experimental.pallas import tpu_sc as plsc

_H, _B, _N, _D, _C = 1, 64, 576, 256, 1024
_ROWS = _B * _N
_TILE = 256
_NSPLIT = 3
_RPC = _ROWS // _NSPLIT
_TPC = _RPC // _TILE

_NC, _NS = 2, 16
_NW = _NC * _NS
_BPW = _RPC // _NW
_CHUNK = 192
_NCHUNK = _BPW // _CHUNK

_SC_MESH = plsc.VectorSubcoreMesh(core_axis_name="c", subcore_axis_name="s")


def _dist_argmax_body(x_ref, e_ref, *rest):
    dist_ref, ind_ref = rest[-2], rest[-1]
    x = x_ref[...]
    e = e_ref[...]
    dist = jax.lax.dot_general(
        x, e, (((1,), (1,)), ((), ())), preferred_element_type=jnp.float32)
    dist_ref[...] = dist
    ind_ref[0, 0, :] = jnp.argmax(dist, axis=1).astype(jnp.int32)


def _make_tc_call(k):
    first = k == 0
    in_specs = [
        pl.BlockSpec((_TILE, _D), lambda i: (i, 0)),
        pl.BlockSpec((_C, _D), lambda i: (0, 0)),
    ]
    if not first:
        in_specs.append(pl.BlockSpec(memory_space=pl.ANY))
    return pl.pallas_call(
        _dist_argmax_body,
        grid=(_TPC,),
        in_specs=in_specs,
        out_specs=[
            pl.BlockSpec((_TILE, _C), lambda i, k=k: (i + k * _TPC, 0)),
            pl.BlockSpec((1, 1, _TILE), lambda i: (i, 0, 0)),
        ],
        out_shape=[
            jax.ShapeDtypeStruct((_ROWS, _C), jnp.float32),
            jax.ShapeDtypeStruct((_TPC, 1, _TILE), jnp.int32),
        ],
        input_output_aliases={} if first else {2: 0},
    )


_TC_CALLS = [_make_tc_call(k) for k in range(_NSPLIT)]


def _sc_gather_body(row_lo, ind_hbm, table_hbm, out_hbm,
                    idx_v, rows0, rows1, sem0, sem1):
    wid = lax.axis_index("s") * _NC + lax.axis_index("c")
    lbase = wid * _BPW
    gbase = row_lo + lbase
    pltpu.sync_copy(ind_hbm.at[pl.ds(lbase, _BPW)], idx_v)
    bufs = (rows0, rows1)
    sems = (sem0, sem1)
    copies = []
    for i in range(_NCHUNK):
        cp = pltpu.async_copy(
            table_hbm.at[idx_v.at[pl.ds(i * _CHUNK, _CHUNK)]],
            bufs[i % 2], sems[i % 2])
        copies.append(cp)
        if i > 0:
            copies[i - 1].wait()
            pltpu.sync_copy(bufs[(i - 1) % 2],
                            out_hbm.at[pl.ds(gbase + (i - 1) * _CHUNK, _CHUNK)])
    copies[_NCHUNK - 1].wait()
    pltpu.sync_copy(bufs[(_NCHUNK - 1) % 2],
                    out_hbm.at[pl.ds(gbase + (_NCHUNK - 1) * _CHUNK, _CHUNK)])


_SC_SCRATCH = [
    pltpu.VMEM((_BPW,), jnp.int32),
    pltpu.VMEM((_CHUNK, _D), jnp.float32),
    pltpu.VMEM((_CHUNK, _D), jnp.float32),
    pltpu.SemaphoreType.DMA,
    pltpu.SemaphoreType.DMA,
]

_sc_gather_first = functools.partial(
    pl.kernel,
    mesh=_SC_MESH,
    out_type=jax.ShapeDtypeStruct((_ROWS, _D), jnp.float32),
    scratch_types=_SC_SCRATCH,
)(functools.partial(_sc_gather_body, 0))

_sc_gather_at = [
    functools.partial(
        pl.kernel,
        mesh=_SC_MESH,
        out_type=(),
        scratch_types=_SC_SCRATCH,
    )(functools.partial(_sc_gather_body, k * _RPC))
    for k in range(1, _NSPLIT)
]


def kernel(x, embed):
    x = x.astype(jnp.float32)
    xf = x.reshape(_ROWS, _D)
    e = embed.reshape(_C, _D)

    dist = None
    inds = []
    quant_ref = None
    for k in range(_NSPLIT):
        xk = lax.slice_in_dim(xf, k * _RPC, (k + 1) * _RPC, axis=0)
        if k == 0:
            dist, ind3 = _TC_CALLS[0](xk, e)
        else:
            dist, ind3 = _TC_CALLS[k](xk, e, dist)
        inds.append(ind3)
        ind_flat = ind3.reshape(_RPC)
        if k == 0:
            quant0 = _sc_gather_first(ind_flat, e)
            quant_ref = jax.new_ref(quant0)
        else:
            _sc_gather_at[k - 1](ind_flat, e, quant_ref)

    quant = quant_ref[...]
    quantize = quant.reshape(_B, _N, _D)
    embed_ind = jnp.concatenate(
        [i3.reshape(_RPC) for i3 in inds]).reshape(_B, _N)
    dist_out = dist.reshape(_H, _B, _N, _C)
    return (quantize, embed_ind, dist_out)

# --- scband reference (transcript-rebuilt; emitter-appended) ---
"""Pipeline reference for scband-custom-cosine-sim-codebook-19396072309113 (READ-ONLY COPY).

The authoritative reference and input builder live on the scoring server;
editing this copy changes nothing except your own understanding.
"""

import jax, jax.numpy as jnp
import numpy as np

H, B, N, D, C = 1, 64, 576, 256, 1024

def l2norm(t):
    return t / jnp.clip(jnp.linalg.norm(t, axis=-1, keepdims=True), 1e-12)

def setup_inputs(seed: int = 0):
    key = jax.random.key(seed)
    kx, ke = jax.random.split(key)
    x = jax.random.normal(kx, (B, N, D), dtype=jnp.float32)
    # kaiming-uniform-initialized codebook, then l2-normalized (as in __init__)
    bound = float(np.sqrt(6.0 / D))
    embed = jax.random.uniform(ke, (H, C, D), minval=-bound, maxval=bound, dtype=jnp.float32)
    embed = l2norm(embed)
    return {"x": x, "embed": embed}

def reference(x, embed):
    # needs_codebook_dim: x.ndim < 4 -> add leading codebook dim
    x = x.astype(jnp.float32)
    x4 = x[None, ...]                         # [H, B, N, D]
    flatten = x4.reshape(H, B * N, D)         # pack 'h * d'
    # embed is a buffer (detached); cosine-sim logits via inner product
    dist = jnp.einsum('hnd,hcd->hnc', flatten, embed)   # [H, B*N, C]
    # gumbel_sample with temperature=0.0 -> plain argmax
    embed_ind_flat = jnp.argmax(dist, axis=-1)           # [H, B*N]
    embed_ind = embed_ind_flat.reshape(H, B, N)          # unpack 'h *'
    # batched_embedding: gather codes per codebook head
    quantize = jax.vmap(lambda e, i: e[i])(embed, embed_ind.reshape(H, B * N))
    quantize = quantize.reshape(H, B, N, D)
    # strip the codebook dim from quantize and embed_ind (needs_codebook_dim)
    quantize_out = quantize[0]        # [B, N, D]
    embed_ind_out = embed_ind[0]      # [B, N]
    # dist is unpacked but keeps its leading codebook dim (per original code path)
    dist_out = dist.reshape(H, B, N, C)   # [1, B, N, C]
    return (quantize_out, embed_ind_out, dist_out)

if __name__ == "__main__":
    import jax
    _d = setup_inputs()
    print(jax.jit(kernel)(*tuple(_d.values())))

</pallas_src>

<mosaic_0001>
#map = affine_map<(d0, d1) -> (0)>
#map1 = affine_map<(d0, d1) -> (0, 0)>
module attributes {stable_mosaic.version = 14 : i64} {
  func.func @new_body(%arg0: i32, %arg1: i32, %arg2: memref<12288xi32, #tpu.memory_space<hbm>>, %arg3: memref<1024x256xf32, #tpu.memory_space<hbm>>, %arg4: memref<36864x256xf32, #tpu.memory_space<hbm>>, %arg5: memref<36864x256xf32, #tpu.memory_space<hbm>>, %arg6: memref<384xi32, #tpu.memory_space<vmem>>, %arg7: memref<192x256xf32, #tpu.memory_space<vmem>>, %arg8: memref<192x256xf32, #tpu.memory_space<vmem>>, %arg9: memref<!tpu.dma_semaphore, #tpu.memory_space<semaphore_mem>>, %arg10: memref<!tpu.dma_semaphore, #tpu.memory_space<semaphore_mem>>) attributes {dimension_semantics = [#tpu.dimension_semantics<core_parallel>, #tpu.dimension_semantics<subcore_parallel>], iteration_bounds = array<i64: 2, 16>, scalar_prefetch = 0 : i64, scratch_operands = 5 : i64, tpu.core_type = #tpu.core_type<sc_vector_subcore>, window_params = [{transform_indices = #map}, {transform_indices = #map1}, {transform_indices = #map1}, {transform_indices = #map1}]} {
    %mul3A = arith.constant 2 : i32
    %mul3A_0 = arith.muli %arg1, %mul3A : i32
    %add3A = arith.addi %mul3A_0, %arg0 : i32
    %mul3A_1 = arith.constant 384 : i32
    %mul3A_2 = arith.muli %add3A, %mul3A_1 : i32
    %add3A_3 = arith.constant 12288 : i32
    %add3A_4 = arith.addi %add3A_3, %mul3A_2 : i32
    "tpu.region"() ({
      %run_scoped3A = tpu.sem_alloc : memref<!tpu.dma_semaphore, #tpu.memory_space<semaphore_mem>>
      %dma_start3A_27 = tpu.memref_slice %arg2[%mul3A_2] : memref<12288xi32, #tpu.memory_space<hbm>> -> memref<384xi32, #tpu.memory_space<hbm>>
      %dma_start3A_28 = tpu.memref_slice %arg2[%mul3A_2] : memref<12288xi32, #tpu.memory_space<hbm>> -> memref<384xi32, #tpu.memory_space<hbm>>
      tpu.enqueue_dma source(%dma_start3A_28 : memref<384xi32, #tpu.memory_space<hbm>>) target(%arg6 : memref<384xi32, #tpu.memory_space<vmem>>) target_semaphore(%run_scoped3A : memref<!tpu.dma_semaphore, #tpu.memory_space<semaphore_mem>>)
      %dma_wait3A_29 = tpu.memref_slice %arg2[%mul3A_2] : memref<12288xi32, #tpu.memory_space<hbm>> -> memref<384xi32, #tpu.memory_space<hbm>>
      %dma_wait3A_30 = tpu.memref_slice %arg2[%mul3A_2] : memref<12288xi32, #tpu.memory_space<hbm>> -> memref<384xi32, #tpu.memory_space<hbm>>
      tpu.wait_dma2 semaphore(%run_scoped3A : memref<!tpu.dma_semaphore, #tpu.memory_space<semaphore_mem>>) src(%dma_wait3A_30 : memref<384xi32, #tpu.memory_space<hbm>>) dst(%arg6 : memref<384xi32, #tpu.memory_space<vmem>>)
      tpu.yield
    }) : () -> ()
    %dma_start3A = arith.constant 0 : i32
    %dma_start3A_5 = tpu.memref_slice %arg6[%dma_start3A] : memref<384xi32, #tpu.memory_space<vmem>> -> memref<192xi32, #tpu.memory_space<vmem>>
    %dma_start3A_6 = arith.constant 0 : i32
    %dma_start3A_7 = arith.constant 0 : i32
    %dma_start3A_8 = tpu.memref_slice %arg3[%dma_start3A_6, %dma_start3A_7] : memref<1024x256xf32, #tpu.memory_space<hbm>> -> memref<1024x256xf32, #tpu.memory_space<hbm>>
    tpu.enqueue_indirect_dma source(%dma_start3A_8 : memref<1024x256xf32, #tpu.memory_space<hbm>>) target(%arg7 : memref<192x256xf32, #tpu.memory_space<vmem>>) offsets(%dma_start3A_5 : memref<192xi32, #tpu.memory_space<vmem>>) semaphore(%arg9 : memref<!tpu.dma_semaphore, #tpu.memory_space<semaphore_mem>>)
    %dma_start3A_9 = arith.constant 192 : i32
    %dma_start3A_10 = tpu.memref_slice %arg6[%dma_start3A_9] : memref<384xi32, #tpu.memory_space<vmem>> -> memref<192xi32, #tpu.memory_space<vmem>>
    %dma_start3A_11 = arith.constant 0 : i32
    %dma_start3A_12 = arith.constant 0 : i32
    %dma_start3A_13 = tpu.memref_slice %arg3[%dma_start3A_11, %dma_start3A_12] : memref<1024x256xf32, #tpu.memory_space<hbm>> -> memref<1024x256xf32, #tpu.memory_space<hbm>>
    tpu.enqueue_indirect_dma source(%dma_start3A_13 : memref<1024x256xf32, #tpu.memory_space<hbm>>) target(%arg8 : memref<192x256xf32, #tpu.memory_space<vmem>>) offsets(%dma_start3A_10 : memref<192xi32, #tpu.memory_space<vmem>>) semaphore(%arg10 : memref<!tpu.dma_semaphore, #tpu.memory_space<semaphore_mem>>)
    %dma_wait3A = arith.constant 0 : i32
    %dma_wait3A_14 = tpu.memref_slice %arg6[%dma_wait3A] : memref<384xi32, #tpu.memory_space<vmem>> -> memref<192xi32, #tpu.memory_space<vmem>>
    %dma_wait3A_15 = arith.constant 0 : i32
    %dma_wait3A_16 = arith.constant 0 : i32
    %dma_wait3A_17 = tpu.memref_slice %arg3[%dma_wait3A_15, %dma_wait3A_16] : memref<1024x256xf32, #tpu.memory_space<hbm>> -> memref<1024x256xf32, #tpu.memory_space<hbm>>
    tpu.wait_indirect_dma semaphore(%arg9 : memref<!tpu.dma_semaphore, #tpu.memory_space<semaphore_mem>>) src(%dma_wait3A_17 : memref<1024x256xf32, #tpu.memory_space<hbm>>) dst(%arg7 : memref<192x256xf32, #tpu.memory_space<vmem>>)
    %add3A_18 = arith.constant 0 : i32
    %add3A_19 = arith.addi %add3A_4, %add3A_18 : i32
    "tpu.region"() ({
      %run_scoped3A = tpu.sem_alloc : memref<!tpu.dma_semaphore, #tpu.memory_space<semaphore_mem>>
      %dma_start3A_27 = arith.constant 0 : i32
      %dma_start3A_28 = tpu.memref_slice %arg4[%add3A_19, %dma_start3A_27] : memref<36864x256xf32, #tpu.memory_space<hbm>> -> memref<192x256xf32, #tpu.memory_space<hbm>>
      %dma_start3A_29 = arith.constant 0 : i32
      %dma_start3A_30 = tpu.memref_slice %arg4[%add3A_19, %dma_start3A_29] : memref<36864x256xf32, #tpu.memory_space<hbm>> -> memref<192x256xf32, #tpu.memory_space<hbm>>
      tpu.enqueue_dma source(%arg7 : memref<192x256xf32, #tpu.memory_space<vmem>>) target(%dma_start3A_30 : memref<192x256xf32, #tpu.memory_space<hbm>>) target_semaphore(%run_scoped3A : memref<!tpu.dma_semaphore, #tpu.memory_space<semaphore_mem>>)
      %dma_wait3A_31 = arith.constant 0 : i32
      %dma_wait3A_32 = tpu.memref_slice %arg4[%add3A_19, %dma_wait3A_31] : memref<36864x256xf32, #tpu.memory_space<hbm>> -> memref<192x256xf32, #tpu.memory_space<hbm>>
      %dma_wait3A_33 = arith.constant 0 : i32
      %dma_wait3A_34 = tpu.memref_slice %arg4[%add3A_19, %dma_wait3A_33] : memref<36864x256xf32, #tpu.memory_space<hbm>> -> memref<192x256xf32, #tpu.memory_space<hbm>>
      tpu.wait_dma2 semaphore(%run_scoped3A : memref<!tpu.dma_semaphore, #tpu.memory_space<semaphore_mem>>) src(%arg7 : memref<192x256xf32, #tpu.memory_space<vmem>>) dst(%dma_wait3A_34 : memref<192x256xf32, #tpu.memory_space<hbm>>)
      tpu.yield
    }) : () -> ()
    %dma_wait3A_20 = arith.constant 192 : i32
    %dma_wait3A_21 = tpu.memref_slice %arg6[%dma_wait3A_20] : memref<384xi32, #tpu.memory_space<vmem>> -> memref<192xi32, #tpu.memory_space<vmem>>
    %dma_wait3A_22 = arith.constant 0 : i32
    %dma_wait3A_23 = arith.constant 0 : i32
    %dma_wait3A_24 = tpu.memref_slice %arg3[%dma_wait3A_22, %dma_wait3A_23] : memref<1024x256xf32, #tpu.memory_space<hbm>> -> memref<1024x256xf32, #tpu.memory_space<hbm>>
    tpu.wait_indirect_dma semaphore(%arg10 : memref<!tpu.dma_semaphore, #tpu.memory_space<semaphore_mem>>) src(%dma_wait3A_24 : memref<1024x256xf32, #tpu.memory_space<hbm>>) dst(%arg8 : memref<192x256xf32, #tpu.memory_space<vmem>>)
    %add3A_25 = arith.constant 192 : i32
    %add3A_26 = arith.addi %add3A_4, %add3A_25 : i32
    "tpu.region"() ({
      %run_scoped3A = tpu.sem_alloc : memref<!tpu.dma_semaphore, #tpu.memory_space<semaphore_mem>>
      %dma_start3A_27 = arith.constant 0 : i32
      %dma_start3A_28 = tpu.memref_slice %arg4[%add3A_26, %dma_start3A_27] : memref<36864x256xf32, #tpu.memory_space<hbm>> -> memref<192x256xf32, #tpu.memory_space<hbm>>
      %dma_start3A_29 = arith.constant 0 : i32
      %dma_start3A_30 = tpu.memref_slice %arg4[%add3A_26, %dma_start3A_29] : memref<36864x256xf32, #tpu.memory_space<hbm>> -> memref<192x256xf32, #tpu.memory_space<hbm>>
      tpu.enqueue_dma source(%arg8 : memref<192x256xf32, #tpu.memory_space<vmem>>) target(%dma_start3A_30 : memref<192x256xf32, #tpu.memory_space<hbm>>) target_semaphore(%run_scoped3A : memref<!tpu.dma_semaphore, #tpu.memory_space<semaphore_mem>>)
      %dma_wait3A_31 = arith.constant 0 : i32
      %dma_wait3A_32 = tpu.memref_slice %arg4[%add3A_26, %dma_wait3A_31] : memref<36864x256xf32, #tpu.memory_space<hbm>> -> memref<192x256xf32, #tpu.memory_space<hbm>>
      %dma_wait3A_33 = arith.constant 0 : i32
      %dma_wait3A_34 = tpu.memref_slice %arg4[%add3A_26, %dma_wait3A_33] : memref<36864x256xf32, #tpu.memory_space<hbm>> -> memref<192x256xf32, #tpu.memory_space<hbm>>
      tpu.wait_dma2 semaphore(%run_scoped3A : memref<!tpu.dma_semaphore, #tpu.memory_space<semaphore_mem>>) src(%arg8 : memref<192x256xf32, #tpu.memory_space<vmem>>) dst(%dma_wait3A_34 : memref<192x256xf32, #tpu.memory_space<hbm>>)
      tpu.yield
    }) : () -> ()
    return
  }
}

#map = affine_map<(d0, d1) -> (0)>
#map1 = affine_map<(d0, d1) -> (0, 0)>
module attributes {stable_mosaic.version = 14 : i64} {
  func.func @_sc_gather_body(%arg0: i32, %arg1: i32, %arg2: memref<12288xi32, #tpu.memory_space<hbm>>, %arg3: memref<1024x256xf32, #tpu.memory_space<hbm>>, %arg4: memref<36864x256xf32, #tpu.memory_space<hbm>>, %arg5: memref<384xi32, #tpu.memory_space<vmem>>, %arg6: memref<192x256xf32, #tpu.memory_space<vmem>>, %arg7: memref<192x256xf32, #tpu.memory_space<vmem>>, %arg8: memref<!tpu.dma_semaphore, #tpu.memory_space<semaphore_mem>>, %arg9: memref<!tpu.dma_semaphore, #tpu.memory_space<semaphore_mem>>) attributes {dimension_semantics = [#tpu.dimension_semantics<core_parallel>, #tpu.dimension_semantics<subcore_parallel>], iteration_bounds = array<i64: 2, 16>, scalar_prefetch = 0 : i64, scratch_operands = 5 : i64, tpu.core_type = #tpu.core_type<sc_vector_subcore>, window_params = [{transform_indices = #map}, {transform_indices = #map1}, {transform_indices = #map1}]} {
    %mul3A = arith.constant 2 : i32
    %mul3A_0 = arith.muli %arg1, %mul3A : i32
    %add3A = arith.addi %mul3A_0, %arg0 : i32
    %mul3A_1 = arith.constant 384 : i32
    %mul3A_2 = arith.muli %add3A, %mul3A_1 : i32
    %add3A_3 = arith.constant 0 : i32
    %add3A_4 = arith.addi %add3A_3, %mul3A_2 : i32
    "tpu.region"() ({
      %run_scoped3A = tpu.sem_alloc : memref<!tpu.dma_semaphore, #tpu.memory_space<semaphore_mem>>
      %dma_start3A_27 = tpu.memref_slice %arg2[%mul3A_2] : memref<12288xi32, #tpu.memory_space<hbm>> -> memref<384xi32, #tpu.memory_space<hbm>>
      %dma_start3A_28 = tpu.memref_slice %arg2[%mul3A_2] : memref<12288xi32, #tpu.memory_space<hbm>> -> memref<384xi32, #tpu.memory_space<hbm>>
      tpu.enqueue_dma source(%dma_start3A_28 : memref<384xi32, #tpu.memory_space<hbm>>) target(%arg5 : memref<384xi32, #tpu.memory_space<vmem>>) target_semaphore(%run_scoped3A : memref<!tpu.dma_semaphore, #tpu.memory_space<semaphore_mem>>)
      %dma_wait3A_29 = tpu.memref_slice %arg2[%mul3A_2] : memref<12288xi32, #tpu.memory_space<hbm>> -> memref<384xi32, #tpu.memory_space<hbm>>
      %dma_wait3A_30 = tpu.memref_slice %arg2[%mul3A_2] : memref<12288xi32, #tpu.memory_space<hbm>> -> memref<384xi32, #tpu.memory_space<hbm>>
      tpu.wait_dma2 semaphore(%run_scoped3A : memref<!tpu.dma_semaphore, #tpu.memory_space<semaphore_mem>>) src(%dma_wait3A_30 : memref<384xi32, #tpu.memory_space<hbm>>) dst(%arg5 : memref<384xi32, #tpu.memory_space<vmem>>)
      tpu.yield
    }) : () -> ()
    %dma_start3A = arith.constant 0 : i32
    %dma_start3A_5 = tpu.memref_slice %arg5[%dma_start3A] : memref<384xi32, #tpu.memory_space<vmem>> -> memref<192xi32, #tpu.memory_space<vmem>>
    %dma_start3A_6 = arith.constant 0 : i32
    %dma_start3A_7 = arith.constant 0 : i32
    %dma_start3A_8 = tpu.memref_slice %arg3[%dma_start3A_6, %dma_start3A_7] : memref<1024x256xf32, #tpu.memory_space<hbm>> -> memref<1024x256xf32, #tpu.memory_space<hbm>>
    tpu.enqueue_indirect_dma source(%dma_start3A_8 : memref<1024x256xf32, #tpu.memory_space<hbm>>) target(%arg6 : memref<192x256xf32, #tpu.memory_space<vmem>>) offsets(%dma_start3A_5 : memref<192xi32, #tpu.memory_space<vmem>>) semaphore(%arg8 : memref<!tpu.dma_semaphore, #tpu.memory_space<semaphore_mem>>)
    %dma_start3A_9 = arith.constant 192 : i32
    %dma_start3A_10 = tpu.memref_slice %arg5[%dma_start3A_9] : memref<384xi32, #tpu.memory_space<vmem>> -> memref<192xi32, #tpu.memory_space<vmem>>
    %dma_start3A_11 = arith.constant 0 : i32
    %dma_start3A_12 = arith.constant 0 : i32
    %dma_start3A_13 = tpu.memref_slice %arg3[%dma_start3A_11, %dma_start3A_12] : memref<1024x256xf32, #tpu.memory_space<hbm>> -> memref<1024x256xf32, #tpu.memory_space<hbm>>
    tpu.enqueue_indirect_dma source(%dma_start3A_13 : memref<1024x256xf32, #tpu.memory_space<hbm>>) target(%arg7 : memref<192x256xf32, #tpu.memory_space<vmem>>) offsets(%dma_start3A_10 : memref<192xi32, #tpu.memory_space<vmem>>) semaphore(%arg9 : memref<!tpu.dma_semaphore, #tpu.memory_space<semaphore_mem>>)
    %dma_wait3A = arith.constant 0 : i32
    %dma_wait3A_14 = tpu.memref_slice %arg5[%dma_wait3A] : memref<384xi32, #tpu.memory_space<vmem>> -> memref<192xi32, #tpu.memory_space<vmem>>
    %dma_wait3A_15 = arith.constant 0 : i32
    %dma_wait3A_16 = arith.constant 0 : i32
    %dma_wait3A_17 = tpu.memref_slice %arg3[%dma_wait3A_15, %dma_wait3A_16] : memref<1024x256xf32, #tpu.memory_space<hbm>> -> memref<1024x256xf32, #tpu.memory_space<hbm>>
    tpu.wait_indirect_dma semaphore(%arg8 : memref<!tpu.dma_semaphore, #tpu.memory_space<semaphore_mem>>) src(%dma_wait3A_17 : memref<1024x256xf32, #tpu.memory_space<hbm>>) dst(%arg6 : memref<192x256xf32, #tpu.memory_space<vmem>>)
    %add3A_18 = arith.constant 0 : i32
    %add3A_19 = arith.addi %add3A_4, %add3A_18 : i32
    "tpu.region"() ({
      %run_scoped3A = tpu.sem_alloc : memref<!tpu.dma_semaphore, #tpu.memory_space<semaphore_mem>>
      %dma_start3A_27 = arith.constant 0 : i32
      %dma_start3A_28 = tpu.memref_slice %arg4[%add3A_19, %dma_start3A_27] : memref<36864x256xf32, #tpu.memory_space<hbm>> -> memref<192x256xf32, #tpu.memory_space<hbm>>
      %dma_start3A_29 = arith.constant 0 : i32
      %dma_start3A_30 = tpu.memref_slice %arg4[%add3A_19, %dma_start3A_29] : memref<36864x256xf32, #tpu.memory_space<hbm>> -> memref<192x256xf32, #tpu.memory_space<hbm>>
      tpu.enqueue_dma source(%arg6 : memref<192x256xf32, #tpu.memory_space<vmem>>) target(%dma_start3A_30 : memref<192x256xf32, #tpu.memory_space<hbm>>) target_semaphore(%run_scoped3A : memref<!tpu.dma_semaphore, #tpu.memory_space<semaphore_mem>>)
      %dma_wait3A_31 = arith.constant 0 : i32
      %dma_wait3A_32 = tpu.memref_slice %arg4[%add3A_19, %dma_wait3A_31] : memref<36864x256xf32, #tpu.memory_space<hbm>> -> memref<192x256xf32, #tpu.memory_space<hbm>>
      %dma_wait3A_33 = arith.constant 0 : i32
      %dma_wait3A_34 = tpu.memref_slice %arg4[%add3A_19, %dma_wait3A_33] : memref<36864x256xf32, #tpu.memory_space<hbm>> -> memref<192x256xf32, #tpu.memory_space<hbm>>
      tpu.wait_dma2 semaphore(%run_scoped3A : memref<!tpu.dma_semaphore, #tpu.memory_space<semaphore_mem>>) src(%arg6 : memref<192x256xf32, #tpu.memory_space<vmem>>) dst(%dma_wait3A_34 : memref<192x256xf32, #tpu.memory_space<hbm>>)
      tpu.yield
    }) : () -> ()
    %dma_wait3A_20 = arith.constant 192 : i32
    %dma_wait3A_21 = tpu.memref_slice %arg5[%dma_wait3A_20] : memref<384xi32, #tpu.memory_space<vmem>> -> memref<192xi32, #tpu.memory_space<vmem>>
    %dma_wait3A_22 = arith.constant 0 : i32
    %dma_wait3A_23 = arith.constant 0 : i32
    %dma_wait3A_24 = tpu.memref_slice %arg3[%dma_wait3A_22, %dma_wait3A_23] : memref<1024x256xf32, #tpu.memory_space<hbm>> -> memref<1024x256xf32, #tpu.memory_space<hbm>>
    tpu.wait_indirect_dma semaphore(%arg9 : memref<!tpu.dma_semaphore, #tpu.memory_space<semaphore_mem>>) src(%dma_wait3A_24 : memref<1024x256xf32, #tpu.memory_space<hbm>>) dst(%arg7 : memref<192x256xf32, #tpu.memory_space<vmem>>)
    %add3A_25 = arith.constant 192 : i32
    %add3A_26 = arith.addi %add3A_4, %add3A_25 : i32
    "tpu.region"() ({
      %run_scoped3A = tpu.sem_alloc : memref<!tpu.dma_semaphore, #tpu.memory_space<semaphore_mem>>
      %dma_start3A_27 = arith.constant 0 : i32
      %dma_start3A_28 = tpu.memref_slice %arg4[%add3A_26, %dma_start3A_27] : memref<36864x256xf32, #tpu.memory_space<hbm>> -> memref<192x256xf32, #tpu.memory_space<hbm>>
      %dma_start3A_29 = arith.constant 0 : i32
      %dma_start3A_30 = tpu.memref_slice %arg4[%add3A_26, %dma_start3A_29] : memref<36864x256xf32, #tpu.memory_space<hbm>> -> memref<192x256xf32, #tpu.memory_space<hbm>>
      tpu.enqueue_dma source(%arg7 : memref<192x256xf32, #tpu.memory_space<vmem>>) target(%dma_start3A_30 : memref<192x256xf32, #tpu.memory_space<hbm>>) target_semaphore(%run_scoped3A : memref<!tpu.dma_semaphore, #tpu.memory_space<semaphore_mem>>)
      %dma_wait3A_31 = arith.constant 0 : i32
      %dma_wait3A_32 = tpu.memref_slice %arg4[%add3A_26, %dma_wait3A_31] : memref<36864x256xf32, #tpu.memory_space<hbm>> -> memref<192x256xf32, #tpu.memory_space<hbm>>
      %dma_wait3A_33 = arith.constant 0 : i32
      %dma_wait3A_34 = tpu.memref_slice %arg4[%add3A_26, %dma_wait3A_33] : memref<36864x256xf32, #tpu.memory_space<hbm>> -> memref<192x256xf32, #tpu.memory_space<hbm>>
      tpu.wait_dma2 semaphore(%run_scoped3A : memref<!tpu.dma_semaphore, #tpu.memory_space<semaphore_mem>>) src(%arg7 : memref<192x256xf32, #tpu.memory_space<vmem>>) dst(%dma_wait3A_34 : memref<192x256xf32, #tpu.memory_space<hbm>>)
      tpu.yield
    }) : () -> ()
    return
  }
}

#map = affine_map<(d0, d1) -> (0)>
#map1 = affine_map<(d0, d1) -> (0, 0)>
module attributes {stable_mosaic.version = 14 : i64} {
  func.func @new_body(%arg0: i32, %arg1: i32, %arg2: memref<12288xi32, #tpu.memory_space<hbm>>, %arg3: memref<1024x256xf32, #tpu.memory_space<hbm>>, %arg4: memref<36864x256xf32, #tpu.memory_space<hbm>>, %arg5: memref<36864x256xf32, #tpu.memory_space<hbm>>, %arg6: memref<384xi32, #tpu.memory_space<vmem>>, %arg7: memref<192x256xf32, #tpu.memory_space<vmem>>, %arg8: memref<192x256xf32, #tpu.memory_space<vmem>>, %arg9: memref<!tpu.dma_semaphore, #tpu.memory_space<semaphore_mem>>, %arg10: memref<!tpu.dma_semaphore, #tpu.memory_space<semaphore_mem>>) attributes {dimension_semantics = [#tpu.dimension_semantics<core_parallel>, #tpu.dimension_semantics<subcore_parallel>], iteration_bounds = array<i64: 2, 16>, scalar_prefetch = 0 : i64, scratch_operands = 5 : i64, tpu.core_type = #tpu.core_type<sc_vector_subcore>, window_params = [{transform_indices = #map}, {transform_indices = #map1}, {transform_indices = #map1}, {transform_indices = #map1}]} {
    %mul3A = arith.constant 2 : i32
    %mul3A_0 = arith.muli %arg1, %mul3A : i32
    %add3A = arith.addi %mul3A_0, %arg0 : i32
    %mul3A_1 = arith.constant 384 : i32
    %mul3A_2 = arith.muli %add3A, %mul3A_1 : i32
    %add3A_3 = arith.constant 24576 : i32
    %add3A_4 = arith.addi %add3A_3, %mul3A_2 : i32
    "tpu.region"() ({
      %run_scoped3A = tpu.sem_alloc : memref<!tpu.dma_semaphore, #tpu.memory_space<semaphore_mem>>
      %dma_start3A_27 = tpu.memref_slice %arg2[%mul3A_2] : memref<12288xi32, #tpu.memory_space<hbm>> -> memref<384xi32, #tpu.memory_space<hbm>>
      %dma_start3A_28 = tpu.memref_slice %arg2[%mul3A_2] : memref<12288xi32, #tpu.memory_space<hbm>> -> memref<384xi32, #tpu.memory_space<hbm>>
      tpu.enqueue_dma source(%dma_start3A_28 : memref<384xi32, #tpu.memory_space<hbm>>) target(%arg6 : memref<384xi32, #tpu.memory_space<vmem>>) target_semaphore(%run_scoped3A : memref<!tpu.dma_semaphore, #tpu.memory_space<semaphore_mem>>)
      %dma_wait3A_29 = tpu.memref_slice %arg2[%mul3A_2] : memref<12288xi32, #tpu.memory_space<hbm>> -> memref<384xi32, #tpu.memory_space<hbm>>
      %dma_wait3A_30 = tpu.memref_slice %arg2[%mul3A_2] : memref<12288xi32, #tpu.memory_space<hbm>> -> memref<384xi32, #tpu.memory_space<hbm>>
      tpu.wait_dma2 semaphore(%run_scoped3A : memref<!tpu.dma_semaphore, #tpu.memory_space<semaphore_mem>>) src(%dma_wait3A_30 : memref<384xi32, #tpu.memory_space<hbm>>) dst(%arg6 : memref<384xi32, #tpu.memory_space<vmem>>)
      tpu.yield
    }) : () -> ()
    %dma_start3A = arith.constant 0 : i32
    %dma_start3A_5 = tpu.memref_slice %arg6[%dma_start3A] : memref<384xi32, #tpu.memory_space<vmem>> -> memref<192xi32, #tpu.memory_space<vmem>>
    %dma_start3A_6 = arith.constant 0 : i32
    %dma_start3A_7 = arith.constant 0 : i32
    %dma_start3A_8 = tpu.memref_slice %arg3[%dma_start3A_6, %dma_start3A_7] : memref<1024x256xf32, #tpu.memory_space<hbm>> -> memref<1024x256xf32, #tpu.memory_space<hbm>>
    tpu.enqueue_indirect_dma source(%dma_start3A_8 : memref<1024x256xf32, #tpu.memory_space<hbm>>) target(%arg7 : memref<192x256xf32, #tpu.memory_space<vmem>>) offsets(%dma_start3A_5 : memref<192xi32, #tpu.memory_space<vmem>>) semaphore(%arg9 : memref<!tpu.dma_semaphore, #tpu.memory_space<semaphore_mem>>)
    %dma_start3A_9 = arith.constant 192 : i32
    %dma_start3A_10 = tpu.memref_slice %arg6[%dma_start3A_9] : memref<384xi32, #tpu.memory_space<vmem>> -> memref<192xi32, #tpu.memory_space<vmem>>
    %dma_start3A_11 = arith.constant 0 : i32
    %dma_start3A_12 = arith.constant 0 : i32
    %dma_start3A_13 = tpu.memref_slice %arg3[%dma_start3A_11, %dma_start3A_12] : memref<1024x256xf32, #tpu.memory_space<hbm>> -> memref<1024x256xf32, #tpu.memory_space<hbm>>
    tpu.enqueue_indirect_dma source(%dma_start3A_13 : memref<1024x256xf32, #tpu.memory_space<hbm>>) target(%arg8 : memref<192x256xf32, #tpu.memory_space<vmem>>) offsets(%dma_start3A_10 : memref<192xi32, #tpu.memory_space<vmem>>) semaphore(%arg10 : memref<!tpu.dma_semaphore, #tpu.memory_space<semaphore_mem>>)
    %dma_wait3A = arith.constant 0 : i32
    %dma_wait3A_14 = tpu.memref_slice %arg6[%dma_wait3A] : memref<384xi32, #tpu.memory_space<vmem>> -> memref<192xi32, #tpu.memory_space<vmem>>
    %dma_wait3A_15 = arith.constant 0 : i32
    %dma_wait3A_16 = arith.constant 0 : i32
    %dma_wait3A_17 = tpu.memref_slice %arg3[%dma_wait3A_15, %dma_wait3A_16] : memref<1024x256xf32, #tpu.memory_space<hbm>> -> memref<1024x256xf32, #tpu.memory_space<hbm>>
    tpu.wait_indirect_dma semaphore(%arg9 : memref<!tpu.dma_semaphore, #tpu.memory_space<semaphore_mem>>) src(%dma_wait3A_17 : memref<1024x256xf32, #tpu.memory_space<hbm>>) dst(%arg7 : memref<192x256xf32, #tpu.memory_space<vmem>>)
    %add3A_18 = arith.constant 0 : i32
    %add3A_19 = arith.addi %add3A_4, %add3A_18 : i32
    "tpu.region"() ({
      %run_scoped3A = tpu.sem_alloc : memref<!tpu.dma_semaphore, #tpu.memory_space<semaphore_mem>>
      %dma_start3A_27 = arith.constant 0 : i32
      %dma_start3A_28 = tpu.memref_slice %arg4[%add3A_19, %dma_start3A_27] : memref<36864x256xf32, #tpu.memory_space<hbm>> -> memref<192x256xf32, #tpu.memory_space<hbm>>
      %dma_start3A_29 = arith.constant 0 : i32
      %dma_start3A_30 = tpu.memref_slice %arg4[%add3A_19, %dma_start3A_29] : memref<36864x256xf32, #tpu.memory_space<hbm>> -> memref<192x256xf32, #tpu.memory_space<hbm>>
      tpu.enqueue_dma source(%arg7 : memref<192x256xf32, #tpu.memory_space<vmem>>) target(%dma_start3A_30 : memref<192x256xf32, #tpu.memory_space<hbm>>) target_semaphore(%run_scoped3A : memref<!tpu.dma_semaphore, #tpu.memory_space<semaphore_mem>>)
      %dma_wait3A_31 = arith.constant 0 : i32
      %dma_wait3A_32 = tpu.memref_slice %arg4[%add3A_19, %dma_wait3A_31] : memref<36864x256xf32, #tpu.memory_space<hbm>> -> memref<192x256xf32, #tpu.memory_space<hbm>>
      %dma_wait3A_33 = arith.constant 0 : i32
      %dma_wait3A_34 = tpu.memref_slice %arg4[%add3A_19, %dma_wait3A_33] : memref<36864x256xf32, #tpu.memory_space<hbm>> -> memref<192x256xf32, #tpu.memory_space<hbm>>
      tpu.wait_dma2 semaphore(%run_scoped3A : memref<!tpu.dma_semaphore, #tpu.memory_space<semaphore_mem>>) src(%arg7 : memref<192x256xf32, #tpu.memory_space<vmem>>) dst(%dma_wait3A_34 : memref<192x256xf32, #tpu.memory_space<hbm>>)
      tpu.yield
    }) : () -> ()
    %dma_wait3A_20 = arith.constant 192 : i32
    %dma_wait3A_21 = tpu.memref_slice %arg6[%dma_wait3A_20] : memref<384xi32, #tpu.memory_space<vmem>> -> memref<192xi32, #tpu.memory_space<vmem>>
    %dma_wait3A_22 = arith.constant 0 : i32
    %dma_wait3A_23 = arith.constant 0 : i32
    %dma_wait3A_24 = tpu.memref_slice %arg3[%dma_wait3A_22, %dma_wait3A_23] : memref<1024x256xf32, #tpu.memory_space<hbm>> -> memref<1024x256xf32, #tpu.memory_space<hbm>>
    tpu.wait_indirect_dma semaphore(%arg10 : memref<!tpu.dma_semaphore, #tpu.memory_space<semaphore_mem>>) src(%dma_wait3A_24 : memref<1024x256xf32, #tpu.memory_space<hbm>>) dst(%arg8 : memref<192x256xf32, #tpu.memory_space<vmem>>)
    %add3A_25 = arith.constant 192 : i32
    %add3A_26 = arith.addi %add3A_4, %add3A_25 : i32
    "tpu.region"() ({
      %run_scoped3A = tpu.sem_alloc : memref<!tpu.dma_semaphore, #tpu.memory_space<semaphore_mem>>
      %dma_start3A_27 = arith.constant 0 : i32
      %dma_start3A_28 = tpu.memref_slice %arg4[%add3A_26, %dma_start3A_27] : memref<36864x256xf32, #tpu.memory_space<hbm>> -> memref<192x256xf32, #tpu.memory_space<hbm>>
      %dma_start3A_29 = arith.constant 0 : i32
      %dma_start3A_30 = tpu.memref_slice %arg4[%add3A_26, %dma_start3A_29] : memref<36864x256xf32, #tpu.memory_space<hbm>> -> memref<192x256xf32, #tpu.memory_space<hbm>>
      tpu.enqueue_dma source(%arg8 : memref<192x256xf32, #tpu.memory_space<vmem>>) target(%dma_start3A_30 : memref<192x256xf32, #tpu.memory_space<hbm>>) target_semaphore(%run_scoped3A : memref<!tpu.dma_semaphore, #tpu.memory_space<semaphore_mem>>)
      %dma_wait3A_31 = arith.constant 0 : i32
      %dma_wait3A_32 = tpu.memref_slice %arg4[%add3A_26, %dma_wait3A_31] : memref<36864x256xf32, #tpu.memory_space<hbm>> -> memref<192x256xf32, #tpu.memory_space<hbm>>
      %dma_wait3A_33 = arith.constant 0 : i32
      %dma_wait3A_34 = tpu.memref_slice %arg4[%add3A_26, %dma_wait3A_33] : memref<36864x256xf32, #tpu.memory_space<hbm>> -> memref<192x256xf32, #tpu.memory_space<hbm>>
      tpu.wait_dma2 semaphore(%run_scoped3A : memref<!tpu.dma_semaphore, #tpu.memory_space<semaphore_mem>>) src(%arg8 : memref<192x256xf32, #tpu.memory_space<vmem>>) dst(%dma_wait3A_34 : memref<192x256xf32, #tpu.memory_space<hbm>>)
      tpu.yield
    }) : () -> ()
    return
  }
}

module attributes {stable_mosaic.version = 14 : i64} {
  func.func @_dist_argmax_body(%arg0: i32, %arg1: memref<256x256xf32, #tpu.memory_space<vmem>>, %arg2: memref<1024x256xf32, #tpu.memory_space<vmem>>, %arg3: memref<256x1024xf32, #tpu.memory_space<vmem>>, %arg4: memref<1x1x256xi32, #tpu.memory_space<vmem>>) attributes {dimension_semantics = [#tpu.dimension_semantics<arbitrary>], iteration_bounds = array<i64: 48>, scalar_prefetch = 0 : i64, scratch_operands = 0 : i64, tpu.core_type = #tpu.core_type<tc>, window_params = [{transform_indices = @transform_0, window_bounds = array<i64: 256, 256>}, {pipeline_mode = #tpu.pipeline_mode<synchronous>, transform_indices = @transform_1, window_bounds = array<i64: 1024, 256>}, {transform_indices = @transform_2, window_bounds = array<i64: 256, 1024>}, {transform_indices = @transform_3, window_bounds = array<i64: 1, 1, 256>}]} {
    %get3A = arith.constant 0 : index
    %get3A_0 = arith.constant 0 : index
    %get3A_1 = vector.load %arg1[%get3A, %get3A_0] : memref<256x256xf32, #tpu.memory_space<vmem>>, vector<256x256xf32>
    %get3A_2 = arith.constant 0 : index
    %get3A_3 = arith.constant 0 : index
    %get3A_4 = vector.load %arg2[%get3A_2, %get3A_3] : memref<1024x256xf32, #tpu.memory_space<vmem>>, vector<1024x256xf32>
    %dot_general3A = arith.constant dense<0.000000e+00> : vector<256x1024xf32>
    %dot_general3A_5 = tpu.matmul %get3A_1, %get3A_4, %dot_general3A {dimension_numbers = #tpu.dot_dimension_numbers<[1], [1], [0], [0], [0, 0, 1, 0], [], []>, transpose_lhs_hint = false} : vector<256x256xf32>, vector<1024x256xf32>, vector<256x1024xf32> -> vector<256x1024xf32>
    %swap3A = arith.constant 0 : index
    %swap3A_6 = arith.constant 0 : index
    %swap3A_7 = vector.load %arg3[%swap3A, %swap3A_6] : memref<256x1024xf32, #tpu.memory_space<vmem>>, vector<256x1024xf32>
    tpu.vector_store %arg3[%swap3A, %swap3A_6], %dot_general3A_5 {strides = array<i32>} : memref<256x1024xf32, #tpu.memory_space<vmem>>, vector<256x1024xf32>,
    %argmax3A = tpu.reduce_index %dot_general3A_5 {axis = 1 : i32, kind = #tpu.reduction_kind<arg_max>} : vector<256x1024xf32> -> vector<256xi32>
    %swap3A_8 = arith.constant 0 : index
    %swap3A_9 = arith.constant 0 : index
    %swap3A_10 = arith.constant 0 : index
    %swap3A_11 = vector.load %arg4[%swap3A_8, %swap3A_9, %swap3A_10] : memref<1x1x256xi32, #tpu.memory_space<vmem>>, vector<1x1x256xi32>
    %swap3A_12 = vector.shape_cast %swap3A_11 : vector<1x1x256xi32> to vector<256xi32>
    %swap3A_13 = vector.shape_cast %argmax3A : vector<256xi32> to vector<1x1x256xi32>
    tpu.vector_store %arg4[%swap3A_8, %swap3A_9, %swap3A_10], %swap3A_13 {strides = array<i32>} : memref<1x1x256xi32, #tpu.memory_space<vmem>>, vector<1x1x256xi32>,
    return
  }
  func.func @transform_0(%arg0: i32) -> (i32, i32) {
    %c0_i32 = arith.constant 0 : i32
    %c0_i32_0 = arith.constant 0 : i32
    return %arg0, %c0_i32 : i32, i32
  }
  func.func @transform_1(%arg0: i32) -> (i32, i32) {
    %c0_i32 = arith.constant 0 : i32
    %c0_i32_0 = arith.constant 0 : i32
    %c0_i32_1 = arith.constant 0 : i32
    return %c0_i32, %c0_i32_0 : i32, i32
  }
  func.func @transform_2(%arg0: i32) -> (i32, i32) {
    %add3A = arith.constant 0 : i32
    %add3A_0 = arith.addi %arg0, %add3A : i32
    %c0_i32 = arith.constant 0 : i32
    %c0_i32_1 = arith.constant 0 : i32
    return %add3A_0, %c0_i32 : i32, i32
  }
  func.func @transform_3(%arg0: i32) -> (i32, i32, i32) {
    %c0_i32 = arith.constant 0 : i32
    %c0_i32_0 = arith.constant 0 : i32
    %c0_i32_1 = arith.constant 0 : i32
    return %arg0, %c0_i32, %c0_i32_0 : i32, i32, i32
  }
}

module attributes {stable_mosaic.version = 14 : i64} {
  func.func @_dist_argmax_body(%arg0: i32, %arg1: memref<256x256xf32, #tpu.memory_space<vmem>>, %arg2: memref<1024x256xf32, #tpu.memory_space<vmem>>, %arg3: memref<36864x1024xf32, #tpu.memory_space<any>>, %arg4: memref<256x1024xf32, #tpu.memory_space<vmem>>, %arg5: memref<1x1x256xi32, #tpu.memory_space<vmem>>) attributes {dimension_semantics = [#tpu.dimension_semantics<arbitrary>], iteration_bounds = array<i64: 48>, scalar_prefetch = 0 : i64, scratch_operands = 0 : i64, tpu.core_type = #tpu.core_type<tc>, window_params = [{transform_indices = @transform_0, window_bounds = array<i64: 256, 256>}, {pipeline_mode = #tpu.pipeline_mode<synchronous>, transform_indices = @transform_1, window_bounds = array<i64: 1024, 256>}, {}, {transform_indices = @transform_3, window_bounds = array<i64: 256, 1024>}, {transform_indices = @transform_4, window_bounds = array<i64: 1, 1, 256>}]} {
    %get3A = arith.constant 0 : index
    %get3A_0 = arith.constant 0 : index
    %get3A_1 = vector.load %arg1[%get3A, %get3A_0] : memref<256x256xf32, #tpu.memory_space<vmem>>, vector<256x256xf32>
    %get3A_2 = arith.constant 0 : index
    %get3A_3 = arith.constant 0 : index
    %get3A_4 = vector.load %arg2[%get3A_2, %get3A_3] : memref<1024x256xf32, #tpu.memory_space<vmem>>, vector<1024x256xf32>
    %dot_general3A = arith.constant dense<0.000000e+00> : vector<256x1024xf32>
    %dot_general3A_5 = tpu.matmul %get3A_1, %get3A_4, %dot_general3A {dimension_numbers = #tpu.dot_dimension_numbers<[1], [1], [0], [0], [0, 0, 1, 0], [], []>, transpose_lhs_hint = false} : vector<256x256xf32>, vector<1024x256xf32>, vector<256x1024xf32> -> vector<256x1024xf32>
    %swap3A = arith.constant 0 : index
    %swap3A_6 = arith.constant 0 : index
    %swap3A_7 = vector.load %arg4[%swap3A, %swap3A_6] : memref<256x1024xf32, #tpu.memory_space<vmem>>, vector<256x1024xf32>
    tpu.vector_store %arg4[%swap3A, %swap3A_6], %dot_general3A_5 {strides = array<i32>} : memref<256x1024xf32, #tpu.memory_space<vmem>>, vector<256x1024xf32>,
    %argmax3A = tpu.reduce_index %dot_general3A_5 {axis = 1 : i32, kind = #tpu.reduction_kind<arg_max>} : vector<256x1024xf32> -> vector<256xi32>
    %swap3A_8 = arith.constant 0 : index
    %swap3A_9 = arith.constant 0 : index
    %swap3A_10 = arith.constant 0 : index
    %swap3A_11 = vector.load %arg5[%swap3A_8, %swap3A_9, %swap3A_10] : memref<1x1x256xi32, #tpu.memory_space<vmem>>, vector<1x1x256xi32>
    %swap3A_12 = vector.shape_cast %swap3A_11 : vector<1x1x256xi32> to vector<256xi32>
    %swap3A_13 = vector.shape_cast %argmax3A : vector<256xi32> to vector<1x1x256xi32>
    tpu.vector_store %arg5[%swap3A_8, %swap3A_9, %swap3A_10], %swap3A_13 {strides = array<i32>} : memref<1x1x256xi32, #tpu.memory_space<vmem>>, vector<1x1x256xi32>,
    return
  }
  func.func @transform_0(%arg0: i32) -> (i32, i32) {
    %c0_i32 = arith.constant 0 : i32
    %c0_i32_0 = arith.constant 0 : i32
    return %arg0, %c0_i32 : i32, i32
  }
  func.func @transform_1(%arg0: i32) -> (i32, i32) {
    %c0_i32 = arith.constant 0 : i32
    %c0_i32_0 = arith.constant 0 : i32
    %c0_i32_1 = arith.constant 0 : i32
    return %c0_i32, %c0_i32_0 : i32, i32
  }
  func.func @transform_3(%arg0: i32) -> (i32, i32) {
    %add3A = arith.constant 96 : i32
    %add3A_0 = arith.addi %arg0, %add3A : i32
    %c0_i32 = arith.constant 0 : i32
    %c0_i32_1 = arith.constant 0 : i32
    return %add3A_0, %c0_i32 : i32, i32
  }
  func.func @transform_4(%arg0: i32) -> (i32, i32, i32) {
    %c0_i32 = arith.constant 0 : i32
    %c0_i32_0 = arith.constant 0 : i32
    %c0_i32_1 = arith.constant 0 : i32
    return %arg0, %c0_i32, %c0_i32_0 : i32, i32, i32
  }
}

module attributes {stable_mosaic.version = 14 : i64} {
  func.func @_dist_argmax_body(%arg0: i32, %arg1: memref<256x256xf32, #tpu.memory_space<vmem>>, %arg2: memref<1024x256xf32, #tpu.memory_space<vmem>>, %arg3: memref<36864x1024xf32, #tpu.memory_space<any>>, %arg4: memref<256x1024xf32, #tpu.memory_space<vmem>>, %arg5: memref<1x1x256xi32, #tpu.memory_space<vmem>>) attributes {dimension_semantics = [#tpu.dimension_semantics<arbitrary>], iteration_bounds = array<i64: 48>, scalar_prefetch = 0 : i64, scratch_operands = 0 : i64, tpu.core_type = #tpu.core_type<tc>, window_params = [{transform_indices = @transform_0, window_bounds = array<i64: 256, 256>}, {pipeline_mode = #tpu.pipeline_mode<synchronous>, transform_indices = @transform_1, window_bounds = array<i64: 1024, 256>}, {}, {transform_indices = @transform_3, window_bounds = array<i64: 256, 1024>}, {transform_indices = @transform_4, window_bounds = array<i64: 1, 1, 256>}]} {
    %get3A = arith.constant 0 : index
    %get3A_0 = arith.constant 0 : index
    %get3A_1 = vector.load %arg1[%get3A, %get3A_0] : memref<256x256xf32, #tpu.memory_space<vmem>>, vector<256x256xf32>
    %get3A_2 = arith.constant 0 : index
    %get3A_3 = arith.constant 0 : index
    %get3A_4 = vector.load %arg2[%get3A_2, %get3A_3] : memref<1024x256xf32, #tpu.memory_space<vmem>>, vector<1024x256xf32>
    %dot_general3A = arith.constant dense<0.000000e+00> : vector<256x1024xf32>
    %dot_general3A_5 = tpu.matmul %get3A_1, %get3A_4, %dot_general3A {dimension_numbers = #tpu.dot_dimension_numbers<[1], [1], [0], [0], [0, 0, 1, 0], [], []>, transpose_lhs_hint = false} : vector<256x256xf32>, vector<1024x256xf32>, vector<256x1024xf32> -> vector<256x1024xf32>
    %swap3A = arith.constant 0 : index
    %swap3A_6 = arith.constant 0 : index
    %swap3A_7 = vector.load %arg4[%swap3A, %swap3A_6] : memref<256x1024xf32, #tpu.memory_space<vmem>>, vector<256x1024xf32>
    tpu.vector_store %arg4[%swap3A, %swap3A_6], %dot_general3A_5 {strides = array<i32>} : memref<256x1024xf32, #tpu.memory_space<vmem>>, vector<256x1024xf32>,
    %argmax3A = tpu.reduce_index %dot_general3A_5 {axis = 1 : i32, kind = #tpu.reduction_kind<arg_max>} : vector<256x1024xf32> -> vector<256xi32>
    %swap3A_8 = arith.constant 0 : index
    %swap3A_9 = arith.constant 0 : index
    %swap3A_10 = arith.constant 0 : index
    %swap3A_11 = vector.load %arg5[%swap3A_8, %swap3A_9, %swap3A_10] : memref<1x1x256xi32, #tpu.memory_space<vmem>>, vector<1x1x256xi32>
    %swap3A_12 = vector.shape_cast %swap3A_11 : vector<1x1x256xi32> to vector<256xi32>
    %swap3A_13 = vector.shape_cast %argmax3A : vector<256xi32> to vector<1x1x256xi32>
    tpu.vector_store %arg5[%swap3A_8, %swap3A_9, %swap3A_10], %swap3A_13 {strides = array<i32>} : memref<1x1x256xi32, #tpu.memory_space<vmem>>, vector<1x1x256xi32>,
    return
  }
  func.func @transform_0(%arg0: i32) -> (i32, i32) {
    %c0_i32 = arith.constant 0 : i32
    %c0_i32_0 = arith.constant 0 : i32
    return %arg0, %c0_i32 : i32, i32
  }
  func.func @transform_1(%arg0: i32) -> (i32, i32) {
    %c0_i32 = arith.constant 0 : i32
    %c0_i32_0 = arith.constant 0 : i32
    %c0_i32_1 = arith.constant 0 : i32
    return %c0_i32, %c0_i32_0 : i32, i32
  }
  func.func @transform_3(%arg0: i32) -> (i32, i32) {
    %add3A = arith.constant 48 : i32
    %add3A_0 = arith.addi %arg0, %add3A : i32
    %c0_i32 = arith.constant 0 : i32
    %c0_i32_1 = arith.constant 0 : i32
    return %add3A_0, %c0_i32 : i32, i32
  }
  func.func @transform_4(%arg0: i32) -> (i32, i32, i32) {
    %c0_i32 = arith.constant 0 : i32
    %c0_i32_0 = arith.constant 0 : i32
    %c0_i32_1 = arith.constant 0 : i32
    return %arg0, %c0_i32, %c0_i32_0 : i32, i32, i32
  }
}

</mosaic_0001>

<sc_bundles>
// kernel: kernel.11.cloned.1.call-start
scs
__scs_entry_jumppad:
0x0: {  	(pc) =	sbr.rel $0x88, $3  }
0x1: {  	(tag) =	ssettag $0x0;
	lr =	simm.s32 $0x1  }
0x2: {  	[smem:$0x3F9F] =	sst lr;
	_ =	strace $0xD0000000  }
0x3: {  	_ = 	snop  }
0x4: {  	_ = 	snop  }
0x5: {  	_ = 	snop  }
0x6: {  	_ = 	snop  }
0x7: {  	_ = 	snop  }
__scs_overlays_trampoline_lowered:
0x8: {  	[smem:$0x3FAE] =	sst s0  }
0x9: {  	[smem:$0x3FAF] =	sst s1  }
0xa: {  	[smem:$0x3FB0] =	sst s2  }
0xb: {  	[smem:$0x3FB1] =	sst s3  }
0xc: {  	[smem:$0x3FB2] =	sst s4  }
0xd: {  	[smem:$0x3FB3] =	sst s5  }
0xe: {  	[smem:$0x3FB4] =	sst s6  }
0xf: {  	[smem:$0x3FB5] =	sst s7  }
0x10: {  	[smem:$0x3FB6] =	sst s8  }
0x11: {  	[smem:$0x3FB7] =	sst s9;
	s0 =	simm.s32 @!p0 $0x0  }
0x12: {  	s1 =	sld [smem:$0x3F9D];
	s0 =	simm.s32 @p0 $0x1  }
0x13: {  	[smem:$0x3FB8] =	sst s0;
	s0 =	simm.s32 @!p1 $0x0  }
0x14: {  	s2 =	sld [smem:$0x3F9C];
	s0 =	simm.s32 @p1 $0x1  }
0x15: {  	[smem:$0x3FB9] =	sst s0;
	s0 =	simm.s32 @!p2 $0x0  }
0x16: {  	s3 =	sld [smem:$0x3FDB];
	s0 =	simm.s32 @p2 $0x1  }
0x17: {  	s4 =	simm.s32 $0x1BF5;
	[smem:$0x3FBB] =	sst s0  }
0x18: {  	s0 =	sld [smem:$0x3F9E];
	_ =	swait.ge [sflag:s4], $0x0  }
0x19: {  	s7 =	sld [smem:$0x3F9F]  }
0x1a: {  	s8 =	sadd.s32 $0xFFFFE003, lr  }
0x1b: {  	s9 =	sadd.s32 $0xFFFFFEF7, lr;
	s5 =	simm.s32 $0xFFFFFFFF;
	p2 =	slt.u32 s8, $0xFFFFF086  }
0x1c: {  	p1 =	slt.u32 s9, $0xF7A;
	s5 =	simm.s32 @!p2 $0x0  }
0x1d: {  	s5 =	simm.s32 @p1 $0x1;
	p0 =	seq.s32 s7, s2  }
0x1e: {  	s7 =	smul.u32 @!p0 $0xF7A, s2;
	p2 =	seq.s32 @!p0 s5, $0x0  }
0x1f: {  	s9 =	smul.u32 $0xF7A, s1;
	s8 =	simm.s32 @!p0 $0x1BF5;
	p2 =	por !p2, p0  }
0x20: {  	[sflag:s8] =	ssyncset.s32 @!p0 $0xFFFFF086;
	s6 =	sadd.s32 @!p0 s3, s7;
	s7 =	simm.s32 @!p0 $0x108  }
0x21: {  	s3 =	sadd.s32 s3, s9;
	s6 =	sadd.s32 @!p0 $0x88, s6;
	s7 =	simm.s32 @p2 $0x1082  }
0x22: {  	[simem:s7], [sflag:s8] =	dma.local @!p0 [hbm:s6], $0xF7A  }
0x23: {  	s9 =	sor.u32 $0xD0000000, s2;
	s6 =	simm.s32 $0x108;
	_ =	swait.ge @!p0 [sflag:s8], $0x0  }
0x24: {  	s3 =	sadd.s32 $0x88, s3;
	s6 =	simm.s32 @!p1 $0x1082;
	[sflag:s4] =	ssyncset.s32 $0xFFFFF086  }
0x25: {  	[simem:s6], [sflag:s4] =	dma.local [hbm:s3], $0xF7A  }
0x26: {  	[smem:$0x3F9F] =	sst s1;
	(tag) =	ssettag s2;
	_ =	strace s9  }
0x27: {  	s1 =	sld [smem:$0x3FAF]  }
0x28: {  	s2 =	sld [smem:$0x3FB0]  }
0x29: {  	s4 =	sld [smem:$0x3FB2]  }
0x2a: {  	p0 =	seq.s32 s5, $0x0;
	s5 =	sld [smem:$0x3FB3]  }
0x2b: {  	s6 =	sld [smem:$0x3FB4]  }
0x2c: {  	s7 =	sld [smem:$0x3FB5]  }
0x2d: {  	s3 =	simm.s32 $0x108;
	s8 =	sld [smem:$0x3FB6]  }
0x2e: {  	s3 =	simm.s32 @!p0 $0x1082;
	s9 =	sld [smem:$0x3FB7]  }
0x2f: {  	lr =	sadd.s32 s0, s3;
	s0 =	sld [smem:$0x3FAE]  }
0x30: {  	s3 =	sld [smem:$0x3FB1]  }
0x31: {  	[smem:$0x3FBA] =	sst s10  }
0x32: {  	s10 =	sld [smem:$0x3FB8];
	_ =	sdelay $0x3  }
0x33: {  	p0 =	seq.s32 s10, $0x1;
	s10 =	sld [smem:$0x3FBA];
	_ =	sdelay $0x3  }
0x34: {  	[smem:$0x3FBA] =	sst s10  }
0x35: {  	s10 =	sld [smem:$0x3FB9];
	_ =	sdelay $0x3  }
0x36: {  	p1 =	seq.s32 s10, $0x1;
	s10 =	sld [smem:$0x3FBA];
	_ =	sdelay $0x3  }
0x37: {  	[smem:$0x3FBA] =	sst s10  }
0x38: {  	s10 =	sld [smem:$0x3FBB]  }
0x39: {  	_ = 	snop;
	(pc) =	sbr.ind lr, $3  }
0x3a: {  	_ = 	snop  }
0x3b: {  	_ = 	snop  }
0x3c: {  	p2 =	seq.s32 s10, $0x1;
	s10 =	sld [smem:$0x3FBA]  }
0x3d: {  	_ =	shalt  }
0x3e: {  	_ =	shalt  }
0x3f: {  	_ =	shalt  }
0x40: {  	_ =	shalt  }
0x41: {  	_ =	shalt  }
0x42: {  	_ =	shalt  }
0x43: {  	_ =	shalt  }
0x44: {  	_ =	shalt  }
0x45: {  	_ =	shalt  }
0x46: {  	_ =	shalt  }
0x47: {  	_ =	shalt  }
0x48: {  	_ =	shalt  }
0x49: {  	_ =	shalt  }
0x4a: {  	_ =	shalt  }
0x4b: {  	_ =	shalt  }
0x4c: {  	_ =	shalt  }
0x4d: {  	_ =	shalt  }
0x4e: {  	_ =	shalt  }
0x4f: {  	_ =	shalt  }
0x50: {  	_ =	shalt  }
0x51: {  	_ =	shalt  }
0x52: {  	_ =	shalt  }
0x53: {  	_ =	shalt  }
0x54: {  	_ =	shalt  }
0x55: {  	_ =	shalt  }
0x56: {  	_ =	shalt  }
0x57: {  	_ =	shalt  }
0x58: {  	_ =	shalt  }
0x59: {  	_ =	shalt  }
0x5a: {  	_ =	shalt  }
0x5b: {  	_ =	shalt  }
0x5c: {  	_ =	shalt  }
0x5d: {  	_ =	shalt  }
0x5e: {  	_ =	shalt  }
0x5f: {  	_ =	shalt  }
0x60: {  	_ =	shalt  }
0x61: {  	_ =	shalt  }
0x62: {  	_ =	shalt  }
0x63: {  	_ =	shalt  }
0x64: {  	_ =	shalt  }
0x65: {  	_ =	shalt  }
0x66: {  	_ =	shalt  }
0x67: {  	_ =	shalt  }
0x68: {  	_ =	shalt  }
0x69: {  	_ =	shalt  }
0x6a: {  	_ =	shalt  }
0x6b: {  	_ =	shalt  }
0x6c: {  	_ =	shalt  }
0x6d: {  	_ =	shalt  }
0x6e: {  	_ =	shalt  }
0x6f: {  	_ =	shalt  }
0x70: {  	_ =	shalt  }
0x71: {  	_ =	shalt  }
0x72: {  	_ =	shalt  }
0x73: {  	_ =	shalt  }
0x74: {  	_ =	shalt  }
0x75: {  	_ =	shalt  }
0x76: {  	_ =	shalt  }
0x77: {  	_ =	shalt  }
0x78: {  	_ =	shalt  }
0x79: {  	_ =	shalt  }
0x7a: {  	_ =	shalt  }
0x7b: {  	_ =	shalt  }
0x7c: {  	_ =	shalt  }
0x7d: {  	_ =	shalt  }
0x7e: {  	_ =	shalt  }
0x7f: {  	_ =	shalt  }
0x80: {  	_ =	shalt  }
0x81: {  	_ =	shalt  }
0x82: {  	_ =	shalt  }
0x83: {  	_ =	shalt  }
0x84: {  	_ =	shalt  }
0x85: {  	_ =	shalt  }
0x86: {  	_ =	shalt  }
0x87: {  	_ =	shalt  }
.Lfunc_end0:
.L_simem_size_0:
called_computation.1_lowered:
.L_overlay_start_0:
0x88: {  	s2 =	sld [smem:$0x3FD9]  }
0x89: {  	s3 =	sld [smem:$0x3FFE];
	_ =	sdelay $0x1  }
0x8a: {  	s1 =	srdreg.scid  }
0x8b: {  	s0 =	sand.u32 $0x1, s1  }
0x8c: {  	s15 =	sshll.u32 s0, $0xA;
	s2 =	sadd.s32 s3, s2  }
0x8d: {  	s2 =	sadd.s32 s2, s15  }
0x8e: {  	[smem:$0x3FC6] =	sst s2  }
0x8f: {  	_ = 	snop  }
0x90: {  	s2 =	sld [smem:$0x3FD0];
	_ =	sdelay $0x2  }
0x91: {  	s4 =	simm.s32 $0xA;
	s5 =	simm.s32 $0x10;
	s16 =	sld [smem:$0x3FC8]  }
0x92: {  	[smem:s5], [sflag:s4] =	dma.local [hbm:s2], $0x1  }
0x93: {  	_ =	swait.eq [sflag:s4], $0x1  }
0x94: {  	[sflag:s4] =	ssyncset.done $0x0  }
0x95: {  	s17 =	sld [smem:$0x10];
	[sflag:s4] =	ssyncadd.s32 $0xFFFFFFFF  }
0x96: {  	s18 =	sld [smem:$0x11];
	(tm) =	ssettm $0x1  }
0x97: {  	s19 =	sld [smem:$0x3FFB];
	_ =	sdelay $0x3  }
0x98: {  	_ =	strace s19  }
0x99: {  	s5 =	sld [smem:$0x3FFC];
	_ =	sdelay $0x3  }
0x9a: {  	_ =	strace s5  }
0x9b: {  	s5 =	sld [smem:$0x3FFD];
	_ =	sdelay $0x3  }
0x9c: {  	_ =	strace s5  }
0x9d: {  	_ =	strace $0x8FFFFFFF  }
0x9e: {  	s20 =	sld [smem:$0x3FDB];
	_ =	sdelay $0x1  }
0x9f: {  	s6 =	simm.s32 $_scs_section_size  }
0xa0: {  	s7 =	simm.s32 $_size__tile_overlayer_lowered;
	s8 =	simm.s32 $_tile_overlayer_lowered  }
0xa1: {  	s23 =	simm.s32 $0x1BFF;
	s22 =	sshll.u32 s8, $0x1;
	s5 =	sadd.s32 s6, s20  }
0xa2: {  	s9 =	simm.s32 $0x0;
	s21 =	sshll.u32 s7, $0x1;
	s7 =	sadd.s32 s22, s5  }
0xa3: {  	[timem:s9], [sflag:s23] =	dma.local [hbm:s7], s21  }
0xa4: {  	_ =	swait.ge [sflag:s23], s21  }
0xa5: {  	s6 =	ssub.s32 $0x0, s21;
	[sflag:s23] =	ssyncset.done $0x0  }
0xa6: {  	[sflag:s23] =	ssyncadd.s32 s6;
	_ =	sdelay $0x1  }
0xa7: {  	s24 =	simm.s32 $0x1B8B  }
0xa8: {  	_ =	swait.ge [sflag:s24], $0x1  }
0xa9: {  	[sflag:s24] =	ssyncset.done $0x0  }
0xaa: {  	s25 =	simm.s32 $0x1B8E;
	[sflag:s24] =	ssyncadd.s32 $0xFFFFFFFF  }
0xab: {  	s26 =	simm.s32 $execute0_lowered;
	[smem:$0x3FD2] =	sst s25  }
0xac: {  	s6 =	sshll.u32 s26, $0x1;
	_ =	strace $0x80000049;
	[dreg:$0x1] =	wrdreg $0xFFFFFFFF  }
0xad: {  	s28 =	simm.s32 $_size_execute0_lowered;
	s5 =	sadd.s32 s5, s6;
	[dreg:$0x0] =	wrdreg $0x0  }
0xae: {  	s6 =	sshll.u32 s28, $0x1;
	[dreg:$0x2] =	wrdreg s5  }
0xaf: {  	[dreg:$0x3] =	wrdreg s6  }
0xb0: {  	[dreg:$0x4] =	wrdreg $0xC0  }
0xb1: {  	_ =	task [dreg:s9], $0x5FFFF  }
0xb2: {  	[dreg:$0x1] =	wrdreg $0xFFFFFFFF  }
0xb3: {  	[dreg:$0x0] =	wrdreg $0x60  }
0xb4: {  	[dreg:$0x2] =	wrdreg s18  }
0xb5: {  	[dreg:$0x3] =	wrdreg s16  }
0xb6: {  	[dreg:$0x4] =	wrdreg s17  }
0xb7: {  	[dreg:$0x5] =	wrdreg $0x9  }
0xb8: {  	_ =	task.clear_ibuf [dreg:s9], $0x6FFFF;
	_ =	strace $0x90000049  }
0xb9: {  	s29 =	simm.s32 $0x9;
	_ =	strace $0x8000004B  }
0xba: {  	_ =	swait.ge [sflag:s29], $0x1  }
0xbb: {  	[sflag:s29] =	ssyncadd.s32 $0xFFFFFFFF  }
0xbc: {  	_ =	strace $0x9000004B  }
0xbd: {  	_ =	sfence  }
0xbe: {  	s30 =	sld [smem:$0x0];
	_ =	sdelay $0x2  }
0xbf: {  	s31 =	sshll.u32 s1, $0xD;
	s1 =	sshrl.u32 s1, $0x2  }
0xc0: {  	s3 =	sand.u32 $0x4000, s31;
	s1 =	sadd.s32 s1, s30  }
0xc1: {  	s0 =	sor.u32 s3, s0;
	s1 =	sshll.u32 s1, $0x11  }
0xc2: {  	s0 =	sor.u32 s1, s0  }
0xc3: {  	s0 =	sadd.s32 $0x8F2B, s0  }
0xc4: {  	[sflag:s0] =	ssyncadd.remote.s32 $0x1  }
0xc5: {  	_ =	sfence.sel $0xFFFF  }
0xc6: {  	[dreg:$0x0] =	wrdreg $0xFFFFFFFF;
	(pc) =	sbr.abs _section_cstart, $3  }
0xc7: {  	[dreg:$0x1] =	wrdreg $0xFFFFFFFF  }
0xc8: {  	_ =	task.clear_ibuf [dreg:s9], $0x2FFFF;
	_ =	strace $0x9FFFFFFF  }
0xc9: {  	(tm) =	ssettm $0x7FFFFFFF  }
tec
execute0_lowered:
.L_overlay_start_1:
0x0: {  	(tag) =	ssettag $0x1  }
0x1: {  	s1 =	srdreg.scid  }
0x2: {  	s0 =	stileid.u32;
	s4 =	rddreg [dreg:$0x0]  }
0x3: {  	s2 =	rddreg [dreg:$0x1];
	s1 =	sand.u32 $0x1, s1;
	s3 =	sshll.u32 s0, $0x1  }
0x4: {  	s6 =	rddreg [dreg:$0x2];
	s5 =	sor.u32 s1, s3;
	s3 =	simm.s32 $0x0  }
0x5: {  	s25 =	simm.s32 $0x980;
	[smem:$0x7FF] =	sst s3  }
0x6: {  	s26 =	simm.s32 $0x1180;
	_ =	strace $0x8000004A;
	[dreg:$0x7] =	wrdreg s25  }
0x7: {  	s0 =	simm.s32 $0x1980;
	[dreg:$0x8] =	wrdreg s26  }
0x8: {  	s8 =	simm.s32 $0x3980;
	[dreg:$0x9] =	wrdreg s0  }
0x9: {  	s9 =	simm.s32 $0x4180;
	[dreg:$0xd] =	wrdreg s8  }
0xa: {  	s10 =	simm.s32 $0x4980;
	[dreg:$0xe] =	wrdreg s9  }
0xb: {  	s11 =	simm.s32 $0x5180;
	[dreg:$0xf] =	wrdreg s10  }
0xc: {  	s12 =	simm.s32 $0x5980;
	[dreg:$0x10] =	wrdreg s11  }
0xd: {  	s13 =	simm.s32 $0x6180;
	[dreg:$0x11] =	wrdreg s12  }
0xe: {  	s14 =	simm.s32 $0x6980;
	[dreg:$0x12] =	wrdreg s13  }
0xf: {  	s15 =	simm.s32 $0x7180;
	s16 =	simm.s32 $0x7980;
	[dreg:$0x13] =	wrdreg s14  }
0x10: {  	s17 =	simm.s32 $0x8180;
	s18 =	simm.s32 $0x8980;
	[dreg:$0x14] =	wrdreg s15  }
0x11: {  	s19 =	simm.s32 $0x9180;
	s20 =	simm.s32 $0x9980;
	[dreg:$0x15] =	wrdreg s16  }
0x12: {  	s21 =	simm.s32 $0xA180;
	s28 =	simm.s32 $0x16980;
	[dreg:$0x16] =	wrdreg s17  }
0x13: {  	s29 =	simm.s32 $0x17180;
	s30 =	simm.s32 $0x17980;
	[dreg:$0x17] =	wrdreg s18  }
0x14: {  	s31 =	simm.s32 $0x1;
	s7 =	smul.u32 $0x18000, s5;
	[dreg:$0x18] =	wrdreg s19  }
0x15: {  	s1 =	ssub.s32 $0x2, s1;
	s5 =	smul.u32 $0x30, s5;
	[dreg:$0x19] =	wrdreg s20  }
0x16: {  	[dreg:$0x1a] =	wrdreg s21;
	s25 =	simm.s32 $0xB980;
	s26 =	simm.s32 $0xC980  }
0x17: {  	s9 =	simm.s32 $0xD980;
	s10 =	simm.s32 $0xE180;
	s11 =	simm.s32 $0xE980  }
0x18: {  	s12 =	simm.s32 $0xF180;
	s13 =	simm.s32 $0xF980;
	s14 =	simm.s32 $0x10180  }
0x19: {  	s15 =	simm.s32 $0x10980;
	s16 =	simm.s32 $0x11180;
	s17 =	simm.s32 $0x11980  }
0x1a: {  	s18 =	simm.s32 $0x12180;
	s19 =	simm.s32 $0x12980;
	s20 =	simm.s32 $0x13180  }
0x1b: {  	s21 =	simm.s32 $0x13980;
	s7 =	sshrl.u32 s7, $0x3;
	[dreg:$0x1d] =	wrdreg s25  }
0x1c: {  	s4 =	sadd.s32 s4, s5;
	s5 =	simm.s32 $0x2180;
	[dreg:$0x1e] =	wrdreg s26  }
0x1d: {  	s25 =	simm.s32 $0x15980;
	s26 =	simm.s32 $0x16180;
	[dreg:$0x4] =	wrdreg s4  }
0x1e: {  	s22 =	sadd.s32 s6, s7;
	[dreg:$0xa] =	wrdreg s5;
	s6 =	simm.s32 $0x2980  }
0x1f: {  	s7 =	simm.s32 $0x3180;
	s5 =	simm.s32 $0x3;
	[dreg:$0xb] =	wrdreg s6  }
0x20: {  	s23 =	sadd.s32 $0x60000, s22;
	s24 =	sadd.s32 $0x61800, s22;
	[dreg:$0xc] =	wrdreg s7  }
0x21: {  	s22 =	sshrl.u32 s1, $0x1;
	s6 =	simm.s32 $0x180;
	[dreg:$0x5] =	wrdreg s23  }
0x22: {  	s7 =	simm.s32 $0xC180;
	[dreg:$0x6] =	wrdreg s24;
	s23 =	simm.s32 $0xA980  }
0x23: {  	v2 =	vlaneseq.u32;
	s1 =	ssub.s32 s1, s22;
	s24 =	simm.s32 $0xB180;
	[dreg:$0x1b] =	wrdreg s23  }
0x24: {  	vm0 =	vmmov $0xffff;
	v1 =	vshrl.u32 v2, $0x3;
	s22 =	simm.s32 $0x14180;
	s4 =	smax.u32 s1, $0x1;
	[dreg:$0x1c] =	wrdreg s24  }
0x25: {  	v0 =	vand.u32 $0x7, v2;
	v2 =	vor.u32 $0x8, v2;
	v1 =	vmul.u32 $0x8, v1;
	s23 =	simm.s32 $0x14980;
	s24 =	simm.s32 $0x15180;
	s1 =	simm.s32 $0x2  }
.LBB2_1:
0x26: {  	s0 =	rddreg [dreg:$0x4]  }
0x27: {  	[tilespmem:s3], [sflag:$0x3] =	stream.linear.gather [hbm4b:s0+s3], $0x180, $0x38;
	[tilespmem:$0x18180] =	vst v63  }
0x28: {  	_ =	swait.ge [sflag:s5], $0x180  }
0x29: {  	[sflag:s5] =	ssyncset.done $0x0  }
0x2a: {  	[sflag:s5] =	ssyncadd.s32 $0xFFFFFE80  }
0x2b: {  	v3 =	vld [tilespmem:$0x0];
	_ =	sdelay $0x4  }
0x2c: {  	v4 =	vshll.u32 v3, $0x1  }
0x2d: {  	v3 =	vand.u32 $0x7, v3;
	v4 =	vand.u32 $0xFFFFFFF0, v4  }
0x2e: {  	v3 =	vor.u32 v3, v4  }
0x2f: {  	v4 =	vperm.xlane v3, v0;
	_ =	sdelay $0x1  }
0x30: {  	v3 =	vperm.xlane v3, v2;
	v4 =	vadd.s32 v1, v4;
	_ =	sdelay $0x1  }
0x31: {  	v3 =	vadd.s32 v1, v3;
	_ =	sdelay $0x2  }
0x32: {  	[tilespmem:s6], [sflag:$0x1] =	stream.indirect_vreg.gather [hbm4b:s2+s3], $0x80, v4, vm0, $0xb8;
	[tilespmem:$0x18180] =	vst v63  }
0x33: {  	s8 =	rddreg [dreg:$0x7]  }
0x34: {  	[tilespmem:s8], [sflag:$0x1] =	stream.indirect_vreg.gather [hbm4b:s2+s3], $0x80, v3, vm0, $0xb8;
	[tilespmem:$0x18180] =	vst v63  }
0x35: {  	v3 =	vld [tilespmem:$0x10];
	_ =	sdelay $0x4  }
0x36: {  	v41 =	vshll.u32 v3, $0x1  }
0x37: {  	v3 =	vand.u32 $0x7, v3;
	v4 =	vand.u32 $0xFFFFFFF0, v41  }
0x38: {  	v3 =	vor.u32 v3, v4  }
0x39: {  	v4 =	vperm.xlane v3, v0;
	_ =	sdelay $0x1  }
0x3a: {  	v3 =	vperm.xlane v3, v2;
	v4 =	vadd.s32 v1, v4;
	_ =	sdelay $0x1  }
0x3b: {  	v3 =	vadd.s32 v1, v3;
	_ =	sdelay $0x1  }
0x3c: {  	s0 =	rddreg [dreg:$0x8]  }
0x3d: {  	[tilespmem:s0], [sflag:$0x1] =	stream.indirect_vreg.gather [hbm4b:s2+s3], $0x80, v4, vm0, $0xb8;
	[tilespmem:$0x18180] =	vst v63  }
0x3e: {  	s8 =	rddreg [dreg:$0x9]  }
0x3f: {  	[tilespmem:s8], [sflag:$0x1] =	stream.indirect_vreg.gather [hbm4b:s2+s3], $0x80, v3, vm0, $0xb8;
	[tilespmem:$0x18180] =	vst v63  }
0x40: {  	v3 =	vld [tilespmem:$0x20];
	_ =	sdelay $0x4  }
0x41: {  	v42 =	vshll.u32 v3, $0x1  }
0x42: {  	v3 =	vand.u32 $0x7, v3;
	v4 =	vand.u32 $0xFFFFFFF0, v42  }
0x43: {  	v3 =	vor.u32 v3, v4  }
0x44: {  	v4 =	vperm.xlane v3, v0;
	_ =	sdelay $0x1  }
0x45: {  	v3 =	vperm.xlane v3, v2;
	v4 =	vadd.s32 v1, v4;
	_ =	sdelay $0x1  }
0x46: {  	v3 =	vadd.s32 v1, v3;
	_ =	sdelay $0x1  }
0x47: {  	s0 =	rddreg [dreg:$0xa]  }
0x48: {  	[tilespmem:s0], [sflag:$0x1] =	stream.indirect_vreg.gather [hbm4b:s2+s3], $0x80, v4, vm0, $0xb8;
	[tilespmem:$0x18180] =	vst v63  }
0x49: {  	s8 =	rddreg [dreg:$0xb]  }
0x4a: {  	[tilespmem:s8], [sflag:$0x1] =	stream.indirect_vreg.gather [hbm4b:s2+s3], $0x80, v3, vm0, $0xb8;
	[tilespmem:$0x18180] =	vst v63  }
0x4b: {  	v3 =	vld [tilespmem:$0x30];
	_ =	sdelay $0x4  }
0x4c: {  	v43 =	vshll.u32 v3, $0x1  }
0x4d: {  	v3 =	vand.u32 $0x7, v3;
	v4 =	vand.u32 $0xFFFFFFF0, v43  }
0x4e: {  	v3 =	vor.u32 v3, v4  }
0x4f: {  	v4 =	vperm.xlane v3, v0;
	_ =	sdelay $0x1  }
0x50: {  	v3 =	vperm.xlane v3, v2;
	v4 =	vadd.s32 v1, v4;
	_ =	sdelay $0x1  }
0x51: {  	v3 =	vadd.s32 v1, v3;
	_ =	sdelay $0x1  }
0x52: {  	s0 =	rddreg [dreg:$0xc]  }
0x53: {  	[tilespmem:s0], [sflag:$0x1] =	stream.indirect_vreg.gather [hbm4b:s2+s3], $0x80, v4, vm0, $0xb8;
	[tilespmem:$0x18180] =	vst v63  }
0x54: {  	s8 =	rddreg [dreg:$0xd]  }
0x55: {  	[tilespmem:s8], [sflag:$0x1] =	stream.indirect_vreg.gather [hbm4b:s2+s3], $0x80, v3, vm0, $0xb8;
	[tilespmem:$0x18180] =	vst v63  }
0x56: {  	v3 =	vld [tilespmem:$0x40];
	_ =	sdelay $0x4  }
0x57: {  	v44 =	vshll.u32 v3, $0x1  }
0x58: {  	v3 =	vand.u32 $0x7, v3;
	v4 =	vand.u32 $0xFFFFFFF0, v44  }
0x59: {  	v3 =	vor.u32 v3, v4  }
0x5a: {  	v4 =	vperm.xlane v3, v0;
	_ =	sdelay $0x1  }
0x5b: {  	v3 =	vperm.xlane v3, v2;
	v4 =	vadd.s32 v1, v4;
	_ =	sdelay $0x1  }
0x5c: {  	v3 =	vadd.s32 v1, v3;
	_ =	sdelay $0x1  }
0x5d: {  	s0 =	rddreg [dreg:$0xe]  }
0x5e: {  	[tilespmem:s0], [sflag:$0x1] =	stream.indirect_vreg.gather [hbm4b:s2+s3], $0x80, v4, vm0, $0xb8;
	[tilespmem:$0x18180] =	vst v63  }
0x5f: {  	s8 =	rddreg [dreg:$0xf]  }
0x60: {  	[tilespmem:s8], [sflag:$0x1] =	stream.indirect_vreg.gather [hbm4b:s2+s3], $0x80, v3, vm0, $0xb8;
	[tilespmem:$0x18180] =	vst v63  }
0x61: {  	v3 =	vld [tilespmem:$0x50];
	_ =	sdelay $0x4  }
0x62: {  	v45 =	vshll.u32 v3, $0x1  }
0x63: {  	v3 =	vand.u32 $0x7, v3;
	v4 =	vand.u32 $0xFFFFFFF0, v45  }
0x64: {  	v3 =	vor.u32 v3, v4  }
0x65: {  	v4 =	vperm.xlane v3, v0;
	_ =	sdelay $0x1  }
0x66: {  	v3 =	vperm.xlane v3, v2;
	v4 =	vadd.s32 v1, v4;
	_ =	sdelay $0x1  }
0x67: {  	v3 =	vadd.s32 v1, v3;
	_ =	sdelay $0x1  }
0x68: {  	s0 =	rddreg [dreg:$0x10]  }
0x69: {  	[tilespmem:s0], [sflag:$0x1] =	stream.indirect_vreg.gather [hbm4b:s2+s3], $0x80, v4, vm0, $0xb8;
	[tilespmem:$0x18180] =	vst v63  }
0x6a: {  	s8 =	rddreg [dreg:$0x11]  }
0x6b: {  	[tilespmem:s8], [sflag:$0x1] =	stream.indirect_vreg.gather [hbm4b:s2+s3], $0x80, v3, vm0, $0xb8;
	[tilespmem:$0x18180] =	vst v63  }
0x6c: {  	v3 =	vld [tilespmem:$0x60];
	_ =	sdelay $0x4  }
0x6d: {  	v46 =	vshll.u32 v3, $0x1  }
0x6e: {  	v3 =	vand.u32 $0x7, v3;
	v4 =	vand.u32 $0xFFFFFFF0, v46  }
0x6f: {  	v3 =	vor.u32 v3, v4  }
0x70: {  	v4 =	vperm.xlane v3, v0;
	_ =	sdelay $0x1  }
0x71: {  	v3 =	vperm.xlane v3, v2;
	v4 =	vadd.s32 v1, v4;
	_ =	sdelay $0x1  }
0x72: {  	v3 =	vadd.s32 v1, v3;
	_ =	sdelay $0x1  }
0x73: {  	s0 =	rddreg [dreg:$0x12]  }
0x74: {  	[tilespmem:s0], [sflag:$0x1] =	stream.indirect_vreg.gather [hbm4b:s2+s3], $0x80, v4, vm0, $0xb8;
	[tilespmem:$0x18180] =	vst v63  }
0x75: {  	s8 =	rddreg [dreg:$0x13]  }
0x76: {  	[tilespmem:s8], [sflag:$0x1] =	stream.indirect_vreg.gather [hbm4b:s2+s3], $0x80, v3, vm0, $0xb8;
	[tilespmem:$0x18180] =	vst v63  }
0x77: {  	v3 =	vld [tilespmem:$0x70];
	_ =	sdelay $0x4  }
0x78: {  	v47 =	vshll.u32 v3, $0x1  }
0x79: {  	v3 =	vand.u32 $0x7, v3;
	v4 =	vand.u32 $0xFFFFFFF0, v47  }
0x7a: {  	v3 =	vor.u32 v3, v4  }
0x7b: {  	v4 =	vperm.xlane v3, v0;
	_ =	sdelay $0x1  }
0x7c: {  	v3 =	vperm.xlane v3, v2;
	v4 =	vadd.s32 v1, v4;
	_ =	sdelay $0x1  }
0x7d: {  	v3 =	vadd.s32 v1, v3;
	_ =	sdelay $0x1  }
0x7e: {  	s0 =	rddreg [dreg:$0x14]  }
0x7f: {  	[tilespmem:s0], [sflag:$0x1] =	stream.indirect_vreg.gather [hbm4b:s2+s3], $0x80, v4, vm0, $0xb8;
	[tilespmem:$0x18180] =	vst v63  }
0x80: {  	s8 =	rddreg [dreg:$0x15]  }
0x81: {  	[tilespmem:s8], [sflag:$0x1] =	stream.indirect_vreg.gather [hbm4b:s2+s3], $0x80, v3, vm0, $0xb8;
	[tilespmem:$0x18180] =	vst v63  }
0x82: {  	v3 =	vld [tilespmem:$0x80];
	_ =	sdelay $0x4  }
0x83: {  	v48 =	vshll.u32 v3, $0x1  }
0x84: {  	v3 =	vand.u32 $0x7, v3;
	v4 =	vand.u32 $0xFFFFFFF0, v48  }
0x85: {  	v3 =	vor.u32 v3, v4  }
0x86: {  	v4 =	vperm.xlane v3, v0;
	_ =	sdelay $0x1  }
0x87: {  	v3 =	vperm.xlane v3, v2;
	v4 =	vadd.s32 v1, v4;
	_ =	sdelay $0x1  }
0x88: {  	v3 =	vadd.s32 v1, v3;
	_ =	sdelay $0x1  }
0x89: {  	s0 =	rddreg [dreg:$0x16]  }
0x8a: {  	[tilespmem:s0], [sflag:$0x1] =	stream.indirect_vreg.gather [hbm4b:s2+s3], $0x80, v4, vm0, $0xb8;
	[tilespmem:$0x18180] =	vst v63  }
0x8b: {  	s8 =	rddreg [dreg:$0x17]  }
0x8c: {  	[tilespmem:s8], [sflag:$0x1] =	stream.indirect_vreg.gather [hbm4b:s2+s3], $0x80, v3, vm0, $0xb8;
	[tilespmem:$0x18180] =	vst v63  }
0x8d: {  	v3 =	vld [tilespmem:$0x90];
	_ =	sdelay $0x4  }
0x8e: {  	v49 =	vshll.u32 v3, $0x1  }
0x8f: {  	v3 =	vand.u32 $0x7, v3;
	v4 =	vand.u32 $0xFFFFFFF0, v49  }
0x90: {  	v3 =	vor.u32 v3, v4  }
0x91: {  	v4 =	vperm.xlane v3, v0;
	_ =	sdelay $0x1  }
0x92: {  	v3 =	vperm.xlane v3, v2;
	v4 =	vadd.s32 v1, v4;
	_ =	sdelay $0x1  }
0x93: {  	v3 =	vadd.s32 v1, v3;
	_ =	sdelay $0x1  }
0x94: {  	s0 =	rddreg [dreg:$0x18]  }
0x95: {  	[tilespmem:s0], [sflag:$0x1] =	stream.indirect_vreg.gather [hbm4b:s2+s3], $0x80, v4, vm0, $0xb8;
	[tilespmem:$0x18180] =	vst v63  }
0x96: {  	s8 =	rddreg [dreg:$0x19]  }
0x97: {  	[tilespmem:s8], [sflag:$0x1] =	stream.indirect_vreg.gather [hbm4b:s2+s3], $0x80, v3, vm0, $0xb8;
	[tilespmem:$0x18180] =	vst v63  }
0x98: {  	v3 =	vld [tilespmem:$0xA0];
	_ =	sdelay $0x4  }
0x99: {  	v50 =	vshll.u32 v3, $0x1  }
0x9a: {  	v3 =	vand.u32 $0x7, v3;
	v4 =	vand.u32 $0xFFFFFFF0, v50  }
0x9b: {  	v3 =	vor.u32 v3, v4  }
0x9c: {  	v4 =	vperm.xlane v3, v0;
	_ =	sdelay $0x1  }
0x9d: {  	v3 =	vperm.xlane v3, v2;
	v4 =	vadd.s32 v1, v4;
	_ =	sdelay $0x1  }
0x9e: {  	v3 =	vadd.s32 v1, v3;
	_ =	sdelay $0x1  }
0x9f: {  	s0 =	rddreg [dreg:$0x1a]  }
0xa0: {  	[tilespmem:s0], [sflag:$0x1] =	stream.indirect_vreg.gather [hbm4b:s2+s3], $0x80, v4, vm0, $0xb8;
	[tilespmem:$0x18180] =	vst v63  }
0xa1: {  	s8 =	rddreg [dreg:$0x1b]  }
0xa2: {  	[tilespmem:s8], [sflag:$0x1] =	stream.indirect_vreg.gather [hbm4b:s2+s3], $0x80, v3, vm0, $0xb8;
	[tilespmem:$0x18180] =	vst v63  }
0xa3: {  	v3 =	vld [tilespmem:$0xB0];
	_ =	sdelay $0x4  }
0xa4: {  	v51 =	vshll.u32 v3, $0x1  }
0xa5: {  	v3 =	vand.u32 $0x7, v3;
	v4 =	vand.u32 $0xFFFFFFF0, v51  }
0xa6: {  	v3 =	vor.u32 v3, v4  }
0xa7: {  	v4 =	vperm.xlane v3, v0;
	_ =	sdelay $0x1  }
0xa8: {  	v3 =	vperm.xlane v3, v2;
	v4 =	vadd.s32 v1, v4;
	_ =	sdelay $0x1  }
0xa9: {  	v3 =	vadd.s32 v1, v3;
	_ =	sdelay $0x1  }
0xaa: {  	s0 =	rddreg [dreg:$0x1c]  }
0xab: {  	[tilespmem:s0], [sflag:$0x1] =	stream.indirect_vreg.gather [hbm4b:s2+s3], $0x80, v4, vm0, $0xb8;
	[tilespmem:$0x18180] =	vst v63  }
0xac: {  	s8 =	rddreg [dreg:$0x1d]  }
0xad: {  	[tilespmem:s8], [sflag:$0x1] =	stream.indirect_vreg.gather [hbm4b:s2+s3], $0x80, v3, vm0, $0xb8;
	[tilespmem:$0x18180] =	vst v63  }
0xae: {  	v3 =	vld [tilespmem:$0xC0];
	_ =	sdelay $0x4  }
0xaf: {  	v52 =	vshll.u32 v3, $0x1  }
0xb0: {  	v3 =	vand.u32 $0x7, v3;
	v4 =	vand.u32 $0xFFFFFFF0, v52  }
0xb1: {  	v3 =	vor.u32 v3, v4  }
0xb2: {  	v4 =	vperm.xlane v3, v0;
	_ =	sdelay $0x1  }
0xb3: {  	v3 =	vperm.xlane v3, v2;
	v4 =	vadd.s32 v1, v4;
	_ =	sdelay $0x1  }
0xb4: {  	v3 =	vadd.s32 v1, v3;
	_ =	sdelay $0x2  }
0xb5: {  	[tilespmem:s7], [sflag:$0x2] =	stream.indirect_vreg.gather [hbm4b:s2+s3], $0x80, v4, vm0, $0xb8;
	[tilespmem:$0x18180] =	vst v63  }
0xb6: {  	s8 =	rddreg [dreg:$0x1e]  }
0xb7: {  	[tilespmem:s8], [sflag:$0x2] =	stream.indirect_vreg.gather [hbm4b:s2+s3], $0x80, v3, vm0, $0xb8;
	[tilespmem:$0x18180] =	vst v63  }
0xb8: {  	v3 =	vld [tilespmem:$0xD0];
	_ =	sdelay $0x4  }
0xb9: {  	v53 =	vshll.u32 v3, $0x1  }
0xba: {  	v3 =	vand.u32 $0x7, v3;
	v4 =	vand.u32 $0xFFFFFFF0, v53  }
0xbb: {  	v3 =	vor.u32 v3, v4  }
0xbc: {  	v4 =	vperm.xlane v3, v0;
	_ =	sdelay $0x1  }
0xbd: {  	v3 =	vperm.xlane v3, v2;
	v4 =	vadd.s32 v1, v4;
	_ =	sdelay $0x1  }
0xbe: {  	v3 =	vadd.s32 v1, v3;
	_ =	sdelay $0x1  }
0xbf: {  	s8 =	simm.s32 $0xD180  }
0xc0: {  	[tilespmem:s8], [sflag:$0x2] =	stream.indirect_vreg.gather [hbm4b:s2+s3], $0x80, v4, vm0, $0xb8;
	[tilespmem:$0x18180] =	vst v63  }
0xc1: {  	_ = 	snop  }
0xc2: {  	[tilespmem:s9], [sflag:$0x2] =	stream.indirect_vreg.gather [hbm4b:s2+s3], $0x80, v3, vm0, $0xb8;
	[tilespmem:$0x18180] =	vst v63  }
0xc3: {  	v3 =	vld [tilespmem:$0xE0];
	_ =	sdelay $0x4  }
0xc4: {  	v54 =	vshll.u32 v3, $0x1  }
0xc5: {  	v3 =	vand.u32 $0x7, v3;
	v4 =	vand.u32 $0xFFFFFFF0, v54  }
0xc6: {  	v3 =	vor.u32 v3, v4  }
0xc7: {  	v4 =	vperm.xlane v3, v0;
	_ =	sdelay $0x1  }
0xc8: {  	v3 =	vperm.xlane v3, v2;
	v4 =	vadd.s32 v1, v4;
	_ =	sdelay $0x1  }
0xc9: {  	v3 =	vadd.s32 v1, v3;
	_ =	sdelay $0x2  }
0xca: {  	[tilespmem:s10], [sflag:$0x2] =	stream.indirect_vreg.gather [hbm4b:s2+s3], $0x80, v4, vm0, $0xb8;
	[tilespmem:$0x18180] =	vst v63  }
0xcb: {  	_ = 	snop  }
0xcc: {  	[tilespmem:s11], [sflag:$0x2] =	stream.indirect_vreg.gather [hbm4b:s2+s3], $0x80, v3, vm0, $0xb8;
	[tilespmem:$0x18180] =	vst v63  }
0xcd: {  	v3 =	vld [tilespmem:$0xF0];
	_ =	sdelay $0x4  }
0xce: {  	v55 =	vshll.u32 v3, $0x1  }
0xcf: {  	v3 =	vand.u32 $0x7, v3;
	v4 =	vand.u32 $0xFFFFFFF0, v55  }
0xd0: {  	v3 =	vor.u32 v3, v4  }
0xd1: {  	v4 =	vperm.xlane v3, v0;
	_ =	sdelay $0x1  }
0xd2: {  	v3 =	vperm.xlane v3, v2;
	v4 =	vadd.s32 v1, v4;
	_ =	sdelay $0x1  }
0xd3: {  	v3 =	vadd.s32 v1, v3;
	_ =	sdelay $0x2  }
0xd4: {  	[tilespmem:s12], [sflag:$0x2] =	stream.indirect_vreg.gather [hbm4b:s2+s3], $0x80, v4, vm0, $0xb8;
	[tilespmem:$0x18180] =	vst v63  }
0xd5: {  	_ = 	snop  }
0xd6: {  	[tilespmem:s13], [sflag:$0x2] =	stream.indirect_vreg.gather [hbm4b:s2+s3], $0x80, v3, vm0, $0xb8;
	[tilespmem:$0x18180] =	vst v63  }
0xd7: {  	v3 =	vld [tilespmem:$0x100];
	_ =	sdelay $0x4  }
0xd8: {  	v56 =	vshll.u32 v3, $0x1  }
0xd9: {  	v3 =	vand.u32 $0x7, v3;
	v4 =	vand.u32 $0xFFFFFFF0, v56  }
0xda: {  	v3 =	vor.u32 v3, v4  }
0xdb: {  	v4 =	vperm.xlane v3, v0;
	_ =	sdelay $0x1  }
0xdc: {  	v3 =	vperm.xlane v3, v2;
	v4 =	vadd.s32 v1, v4;
	_ =	sdelay $0x1  }
0xdd: {  	v3 =	vadd.s32 v1, v3;
	_ =	sdelay $0x2  }
0xde: {  	[tilespmem:s14], [sflag:$0x2] =	stream.indirect_vreg.gather [hbm4b:s2+s3], $0x80, v4, vm0, $0xb8;
	[tilespmem:$0x18180] =	vst v63  }
0xdf: {  	_ = 	snop  }
0xe0: {  	[tilespmem:s15], [sflag:$0x2] =	stream.indirect_vreg.gather [hbm4b:s2+s3], $0x80, v3, vm0, $0xb8;
	[tilespmem:$0x18180] =	vst v63  }
0xe1: {  	v3 =	vld [tilespmem:$0x110];
	_ =	sdelay $0x4  }
0xe2: {  	v57 =	vshll.u32 v3, $0x1  }
0xe3: {  	v3 =	vand.u32 $0x7, v3;
	v4 =	vand.u32 $0xFFFFFFF0, v57  }
0xe4: {  	v3 =	vor.u32 v3, v4  }
0xe5: {  	v4 =	vperm.xlane v3, v0;
	_ =	sdelay $0x1  }
0xe6: {  	v3 =	vperm.xlane v3, v2;
	v4 =	vadd.s32 v1, v4;
	_ =	sdelay $0x1  }
0xe7: {  	v3 =	vadd.s32 v1, v3;
	_ =	sdelay $0x2  }
0xe8: {  	[tilespmem:s16], [sflag:$0x2] =	stream.indirect_vreg.gather [hbm4b:s2+s3], $0x80, v4, vm0, $0xb8;
	[tilespmem:$0x18180] =	vst v63  }
0xe9: {  	_ = 	snop  }
0xea: {  	[tilespmem:s17], [sflag:$0x2] =	stream.indirect_vreg.gather [hbm4b:s2+s3], $0x80, v3, vm0, $0xb8;
	[tilespmem:$0x18180] =	vst v63  }
0xeb: {  	v3 =	vld [tilespmem:$0x120];
	_ =	sdelay $0x4  }
0xec: {  	v58 =	vshll.u32 v3, $0x1  }
0xed: {  	v3 =	vand.u32 $0x7, v3;
	v4 =	vand.u32 $0xFFFFFFF0, v58  }
0xee: {  	v3 =	vor.u32 v3, v4  }
0xef: {  	v4 =	vperm.xlane v3, v0;
	_ =	sdelay $0x1  }
0xf0: {  	v3 =	vperm.xlane v3, v2;
	v4 =	vadd.s32 v1, v4;
	_ =	sdelay $0x1  }
0xf1: {  	v3 =	vadd.s32 v1, v3;
	_ =	sdelay $0x2  }
0xf2: {  	[tilespmem:s18], [sflag:$0x2] =	stream.indirect_vreg.gather [hbm4b:s2+s3], $0x80, v4, vm0, $0xb8;
	[tilespmem:$0x18180] =	vst v63  }
0xf3: {  	_ = 	snop  }
0xf4: {  	[tilespmem:s19], [sflag:$0x2] =	stream.indirect_vreg.gather [hbm4b:s2+s3], $0x80, v3, vm0, $0xb8;
	[tilespmem:$0x18180] =	vst v63  }
0xf5: {  	v3 =	vld [tilespmem:$0x130];
	_ =	sdelay $0x4  }
0xf6: {  	v59 =	vshll.u32 v3, $0x1  }
0xf7: {  	v3 =	vand.u32 $0x7, v3;
	v4 =	vand.u32 $0xFFFFFFF0, v59  }
0xf8: {  	v3 =	vor.u32 v3, v4  }
0xf9: {  	v4 =	vperm.xlane v3, v0;
	_ =	sdelay $0x1  }
0xfa: {  	v3 =	vperm.xlane v3, v2;
	v4 =	vadd.s32 v1, v4;
	_ =	sdelay $0x1  }
0xfb: {  	v3 =	vadd.s32 v1, v3;
	_ =	sdelay $0x2  }
0xfc: {  	[tilespmem:s20], [sflag:$0x2] =	stream.indirect_vreg.gather [hbm4b:s2+s3], $0x80, v4, vm0, $0xb8;
	[tilespmem:$0x18180] =	vst v63  }
0xfd: {  	_ = 	snop  }
0xfe: {  	[tilespmem:s21], [sflag:$0x2] =	stream.indirect_vreg.gather [hbm4b:s2+s3], $0x80, v3, vm0, $0xb8;
	[tilespmem:$0x18180] =	vst v63  }
0xff: {  	v3 =	vld [tilespmem:$0x140];
	_ =	sdelay $0x4  }
0x100: {  	v60 =	vshll.u32 v3, $0x1  }
0x101: {  	v3 =	vand.u32 $0x7, v3;
	v4 =	vand.u32 $0xFFFFFFF0, v60  }
0x102: {  	v3 =	vor.u32 v3, v4  }
0x103: {  	v4 =	vperm.xlane v3, v0;
	_ =	sdelay $0x1  }
0x104: {  	v3 =	vperm.xlane v3, v2;
	v4 =	vadd.s32 v1, v4;
	_ =	sdelay $0x1  }
0x105: {  	v3 =	vadd.s32 v1, v3;
	_ =	sdelay $0x2  }
0x106: {  	[tilespmem:s22], [sflag:$0x2] =	stream.indirect_vreg.gather [hbm4b:s2+s3], $0x80, v4, vm0, $0xb8;
	[tilespmem:$0x18180] =	vst v63  }
0x107: {  	_ = 	snop  }
0x108: {  	[tilespmem:s23], [sflag:$0x2] =	stream.indirect_vreg.gather [hbm4b:s2+s3], $0x80, v3, vm0, $0xb8;
	[tilespmem:$0x18180] =	vst v63  }
0x109: {  	v3 =	vld [tilespmem:$0x150];
	_ =	sdelay $0x4  }
0x10a: {  	v61 =	vshll.u32 v3, $0x1  }
0x10b: {  	v3 =	vand.u32 $0x7, v3;
	v4 =	vand.u32 $0xFFFFFFF0, v61  }
0x10c: {  	v3 =	vor.u32 v3, v4  }
0x10d: {  	v4 =	vperm.xlane v3, v0;
	_ =	sdelay $0x1  }
0x10e: {  	v3 =	vperm.xlane v3, v2;
	v4 =	vadd.s32 v1, v4;
	_ =	sdelay $0x1  }
0x10f: {  	v3 =	vadd.s32 v1, v3;
	_ =	sdelay $0x2  }
0x110: {  	[tilespmem:s24], [sflag:$0x2] =	stream.indirect_vreg.gather [hbm4b:s2+s3], $0x80, v4, vm0, $0xb8;
	[tilespmem:$0x18180] =	vst v63  }
0x111: {  	_ = 	snop  }
0x112: {  	[tilespmem:s25], [sflag:$0x2] =	stream.indirect_vreg.gather [hbm4b:s2+s3], $0x80, v3, vm0, $0xb8;
	[tilespmem:$0x18180] =	vst v63  }
0x113: {  	v3 =	vld [tilespmem:$0x160];
	_ =	sdelay $0x4  }
0x114: {  	v62 =	vshll.u32 v3, $0x1  }
0x115: {  	v3 =	vand.u32 $0x7, v3;
	v4 =	vand.u32 $0xFFFFFFF0, v62  }
0x116: {  	v3 =	vor.u32 v3, v4  }
0x117: {  	v4 =	vperm.xlane v3, v0;
	_ =	sdelay $0x1  }
0x118: {  	v3 =	vperm.xlane v3, v2;
	v4 =	vadd.s32 v1, v4;
	_ =	sdelay $0x1  }
0x119: {  	v3 =	vadd.s32 v1, v3;
	_ =	sdelay $0x2  }
0x11a: {  	[tilespmem:s26], [sflag:$0x2] =	stream.indirect_vreg.gather [hbm4b:s2+s3], $0x80, v4, vm0, $0xb8;
	[tilespmem:$0x18180] =	vst v63  }
0x11b: {  	_ = 	snop  }
0x11c: {  	[tilespmem:s28], [sflag:$0x2] =	stream.indirect_vreg.gather [hbm4b:s2+s3], $0x80, v3, vm0, $0xb8;
	[tilespmem:$0x18180] =	vst v63  }
0x11d: {  	v3 =	vld [tilespmem:$0x170];
	_ =	sdelay $0x4  }
0x11e: {  	v63 =	vshll.u32 v3, $0x1  }
0x11f: {  	v3 =	vand.u32 $0x7, v3;
	v4 =	vand.u32 $0xFFFFFFF0, v63  }
0x120: {  	v3 =	vor.u32 v3, v4  }
0x121: {  	v4 =	vperm.xlane v3, v0;
	_ =	sdelay $0x1  }
0x122: {  	v3 =	vperm.xlane v3, v2;
	v4 =	vadd.s32 v1, v4;
	_ =	sdelay $0x1  }
0x123: {  	v3 =	vadd.s32 v1, v3;
	_ =	sdelay $0x2  }
0x124: {  	[tilespmem:s29], [sflag:$0x2] =	stream.indirect_vreg.gather [hbm4b:s2+s3], $0x80, v4, vm0, $0xb8;
	[tilespmem:$0x18180] =	vst v63  }
0x125: {  	_ = 	snop  }
0x126: {  	[tilespmem:s30], [sflag:$0x2] =	stream.indirect_vreg.gather [hbm4b:s2+s3], $0x80, v3, vm0, $0xb8;
	[tilespmem:$0x18180] =	vst v63  }
0x127: {  	_ =	swait.ge [sflag:s31], $0xC000  }
0x128: {  	[sflag:s31] =	ssyncset.done $0x0  }
0x129: {  	s8 =	rddreg [dreg:$0x5];
	[sflag:s31] =	ssyncadd.s32 $0xFFFF4000  }
0x12a: {  	[hbm4b:s8+s3] =	stream.linear.scatter [tilespmem:s6], [sflag:$0x3], $0xC000, $0x38;
	[tilespmem:$0x18180] =	vst v63  }
0x12b: {  	_ =	swait.ge [sflag:s5], $0xC000  }
0x12c: {  	[sflag:s5] =	ssyncset.done $0x0  }
0x12d: {  	[sflag:s5] =	ssyncadd.s32 $0xFFFF4000  }
0x12e: {  	_ =	swait.ge [sflag:s1], $0xC000  }
0x12f: {  	p0 =	sne.s32 s4, $0x1;
	[sflag:s1] =	ssyncset.done $0x0  }
.Ltmp0:
0x130: {  	s8 =	rddreg [dreg:$0x6];
	[sflag:s1] =	ssyncadd.s32 $0xFFFF4000;
	(pc) =	sbr.rel @p0 .LBB2_1-.Ltmp0, $4  }
0x131: {  	[hbm4b:s8+s3] =	stream.linear.scatter [tilespmem:s7], [sflag:$0x3], $0xC000, $0x38;
	[tilespmem:$0x18180] =	vst v63  }
0x132: {  	_ =	swait.ge [sflag:s5], $0xC000  }
0x133: {  	[sflag:s5] =	ssyncset.done $0x0  }
0x134: {  	s4 =	sadd.s32 $0xFFFFFFFF, s4;
	[sflag:s5] =	ssyncadd.s32 $0xFFFF4000  }
0x135: {  	_ =	sfence.sel $0x180000  }
0x136: {  	[bflag:$0x0] =	sbarrier.arrive $0xFFFF  }
0x137: {  	_ =	strace $0x9000004A  }
0x138: {  	s0 =	stileid.u32;
	[bflag:$0x2] =	sbarrier.arrive $0xFFFF  }
0x139: {  	p0 =	sne.s32 s0, $0x0;
	s0 =	rddreg [dreg:$0x3]  }
0x13a: {  	s0 =	sadd.s32 @!p0 $0x100000, s0  }
0x13b: {  	[sflag:s0] =	ssyncadd.tile.s32 @!p0 $0x1;
	_ =	shalt  }
.Lfunc_end2:
_tile_overlayer_lowered:
.L_overlay_start_2:
0x13c: {  	(tag) =	ssettag $0x2  }
0x13d: {  	s0 =	rddreg [dreg:$0x0];
	s2 =	stileid.u32  }
0x13e: {  	s1 =	rddreg [dreg:$0x1];
	p0 =	sne.s32 s2, $0x0  }
0x13f: {  	s3 =	rddreg [dreg:$0x2];
	[bflag:$0x3] =	sbarrier.arrive $0xFFFF;
	s2 =	simm.s32 @!p0 $0x1C03  }
0x140: {  	[timem:s3], [sflag:s2] =	dma.local @!p0 [hbm:s0], s1  }
0x141: {  	s0 =	simm.s32 @!p0 $0x3  }
0x142: {  	_ =	swait.ge @!p0 [sflag:s0], s1  }
0x143: {  	s1 =	ssub.s32 @!p0 $0x0, s1;
	[sflag:s0] =	ssyncset.done @!p0 $0x0  }
0x144: {  	[sflag:s0] =	ssyncadd.s32 @!p0 s1  }
0x145: {  	[bflag:$0x3] =	sbarrier.arrive $0xFFFF  }
0x146: {  	_ =	shalt  }

// kernel: kernel.14.cloned.1.call-start
scs
__scs_entry_jumppad:
0x0: {  	(pc) =	sbr.rel $0x88, $3  }
0x1: {  	(tag) =	ssettag $0x0;
	lr =	simm.s32 $0x1  }
0x2: {  	[smem:$0x3F9F] =	sst lr;
	_ =	strace $0xD0000000  }
0x3: {  	_ = 	snop  }
0x4: {  	_ = 	snop  }
0x5: {  	_ = 	snop  }
0x6: {  	_ = 	snop  }
0x7: {  	_ = 	snop  }
__scs_overlays_trampoline_lowered:
0x8: {  	[smem:$0x3FAE] =	sst s0  }
0x9: {  	[smem:$0x3FAF] =	sst s1  }
0xa: {  	[smem:$0x3FB0] =	sst s2  }
0xb: {  	[smem:$0x3FB1] =	sst s3  }
0xc: {  	[smem:$0x3FB2] =	sst s4  }
0xd: {  	[smem:$0x3FB3] =	sst s5  }
0xe: {  	[smem:$0x3FB4] =	sst s6  }
0xf: {  	[smem:$0x3FB5] =	sst s7  }
0x10: {  	[smem:$0x3FB6] =	sst s8  }
0x11: {  	[smem:$0x3FB7] =	sst s9;
	s0 =	simm.s32 @!p0 $0x0  }
0x12: {  	s1 =	sld [smem:$0x3F9D];
	s0 =	simm.s32 @p0 $0x1  }
0x13: {  	[smem:$0x3FB8] =	sst s0;
	s0 =	simm.s32 @!p1 $0x0  }
0x14: {  	s2 =	sld [smem:$0x3F9C];
	s0 =	simm.s32 @p1 $0x1  }
0x15: {  	[smem:$0x3FB9] =	sst s0;
	s0 =	simm.s32 @!p2 $0x0  }
0x16: {  	s3 =	sld [smem:$0x3FDB];
	s0 =	simm.s32 @p2 $0x1  }
0x17: {  	s4 =	simm.s32 $0x1BF5;
	[smem:$0x3FBB] =	sst s0  }
0x18: {  	s0 =	sld [smem:$0x3F9E];
	_ =	swait.ge [sflag:s4], $0x0  }
0x19: {  	s7 =	sld [smem:$0x3F9F]  }
0x1a: {  	s8 =	sadd.s32 $0xFFFFE003, lr  }
0x1b: {  	s9 =	sadd.s32 $0xFFFFFEF7, lr;
	s5 =	simm.s32 $0xFFFFFFFF;
	p2 =	slt.u32 s8, $0xFFFFF086  }
0x1c: {  	p1 =	slt.u32 s9, $0xF7A;
	s5 =	simm.s32 @!p2 $0x0  }
0x1d: {  	s5 =	simm.s32 @p1 $0x1;
	p0 =	seq.s32 s7, s2  }
0x1e: {  	s7 =	smul.u32 @!p0 $0xF7A, s2;
	p2 =	seq.s32 @!p0 s5, $0x0  }
0x1f: {  	s9 =	smul.u32 $0xF7A, s1;
	s8 =	simm.s32 @!p0 $0x1BF5;
	p2 =	por !p2, p0  }
0x20: {  	[sflag:s8] =	ssyncset.s32 @!p0 $0xFFFFF086;
	s6 =	sadd.s32 @!p0 s3, s7;
	s7 =	simm.s32 @!p0 $0x108  }
0x21: {  	s3 =	sadd.s32 s3, s9;
	s6 =	sadd.s32 @!p0 $0x88, s6;
	s7 =	simm.s32 @p2 $0x1082  }
0x22: {  	[simem:s7], [sflag:s8] =	dma.local @!p0 [hbm:s6], $0xF7A  }
0x23: {  	s9 =	sor.u32 $0xD0000000, s2;
	s6 =	simm.s32 $0x108;
	_ =	swait.ge @!p0 [sflag:s8], $0x0  }
0x24: {  	s3 =	sadd.s32 $0x88, s3;
	s6 =	simm.s32 @!p1 $0x1082;
	[sflag:s4] =	ssyncset.s32 $0xFFFFF086  }
0x25: {  	[simem:s6], [sflag:s4] =	dma.local [hbm:s3], $0xF7A  }
0x26: {  	[smem:$0x3F9F] =	sst s1;
	(tag) =	ssettag s2;
	_ =	strace s9  }
0x27: {  	s1 =	sld [smem:$0x3FAF]  }
0x28: {  	s2 =	sld [smem:$0x3FB0]  }
0x29: {  	s4 =	sld [smem:$0x3FB2]  }
0x2a: {  	p0 =	seq.s32 s5, $0x0;
	s5 =	sld [smem:$0x3FB3]  }
0x2b: {  	s6 =	sld [smem:$0x3FB4]  }
0x2c: {  	s7 =	sld [smem:$0x3FB5]  }
0x2d: {  	s3 =	simm.s32 $0x108;
	s8 =	sld [smem:$0x3FB6]  }
0x2e: {  	s3 =	simm.s32 @!p0 $0x1082;
	s9 =	sld [smem:$0x3FB7]  }
0x2f: {  	lr =	sadd.s32 s0, s3;
	s0 =	sld [smem:$0x3FAE]  }
0x30: {  	s3 =	sld [smem:$0x3FB1]  }
0x31: {  	[smem:$0x3FBA] =	sst s10  }
0x32: {  	s10 =	sld [smem:$0x3FB8];
	_ =	sdelay $0x3  }
0x33: {  	p0 =	seq.s32 s10, $0x1;
	s10 =	sld [smem:$0x3FBA];
	_ =	sdelay $0x3  }
0x34: {  	[smem:$0x3FBA] =	sst s10  }
0x35: {  	s10 =	sld [smem:$0x3FB9];
	_ =	sdelay $0x3  }
0x36: {  	p1 =	seq.s32 s10, $0x1;
	s10 =	sld [smem:$0x3FBA];
	_ =	sdelay $0x3  }
0x37: {  	[smem:$0x3FBA] =	sst s10  }
0x38: {  	s10 =	sld [smem:$0x3FBB]  }
0x39: {  	_ = 	snop;
	(pc) =	sbr.ind lr, $3  }
0x3a: {  	_ = 	snop  }
0x3b: {  	_ = 	snop  }
0x3c: {  	p2 =	seq.s32 s10, $0x1;
	s10 =	sld [smem:$0x3FBA]  }
0x3d: {  	_ =	shalt  }
0x3e: {  	_ =	shalt  }
0x3f: {  	_ =	shalt  }
0x40: {  	_ =	shalt  }
0x41: {  	_ =	shalt  }
0x42: {  	_ =	shalt  }
0x43: {  	_ =	shalt  }
0x44: {  	_ =	shalt  }
0x45: {  	_ =	shalt  }
0x46: {  	_ =	shalt  }
0x47: {  	_ =	shalt  }
0x48: {  	_ =	shalt  }
0x49: {  	_ =	shalt  }
0x4a: {  	_ =	shalt  }
0x4b: {  	_ =	shalt  }
0x4c: {  	_ =	shalt  }
0x4d: {  	_ =	shalt  }
0x4e: {  	_ =	shalt  }
0x4f: {  	_ =	shalt  }
0x50: {  	_ =	shalt  }
0x51: {  	_ =	shalt  }
0x52: {  	_ =	shalt  }
0x53: {  	_ =	shalt  }
0x54: {  	_ =	shalt  }
0x55: {  	_ =	shalt  }
0x56: {  	_ =	shalt  }
0x57: {  	_ =	shalt  }
0x58: {  	_ =	shalt  }
0x59: {  	_ =	shalt  }
0x5a: {  	_ =	shalt  }
0x5b: {  	_ =	shalt  }
0x5c: {  	_ =	shalt  }
0x5d: {  	_ =	shalt  }
0x5e: {  	_ =	shalt  }
0x5f: {  	_ =	shalt  }
0x60: {  	_ =	shalt  }
0x61: {  	_ =	shalt  }
0x62: {  	_ =	shalt  }
0x63: {  	_ =	shalt  }
0x64: {  	_ =	shalt  }
0x65: {  	_ =	shalt  }
0x66: {  	_ =	shalt  }
0x67: {  	_ =	shalt  }
0x68: {  	_ =	shalt  }
0x69: {  	_ =	shalt  }
0x6a: {  	_ =	shalt  }
0x6b: {  	_ =	shalt  }
0x6c: {  	_ =	shalt  }
0x6d: {  	_ =	shalt  }
0x6e: {  	_ =	shalt  }
0x6f: {  	_ =	shalt  }
0x70: {  	_ =	shalt  }
0x71: {  	_ =	shalt  }
0x72: {  	_ =	shalt  }
0x73: {  	_ =	shalt  }
0x74: {  	_ =	shalt  }
0x75: {  	_ =	shalt  }
0x76: {  	_ =	shalt  }
0x77: {  	_ =	shalt  }
0x78: {  	_ =	shalt  }
0x79: {  	_ =	shalt  }
0x7a: {  	_ =	shalt  }
0x7b: {  	_ =	shalt  }
0x7c: {  	_ =	shalt  }
0x7d: {  	_ =	shalt  }
0x7e: {  	_ =	shalt  }
0x7f: {  	_ =	shalt  }
0x80: {  	_ =	shalt  }
0x81: {  	_ =	shalt  }
0x82: {  	_ =	shalt  }
0x83: {  	_ =	shalt  }
0x84: {  	_ =	shalt  }
0x85: {  	_ =	shalt  }
0x86: {  	_ =	shalt  }
0x87: {  	_ =	shalt  }
.Lfunc_end0:
.L_simem_size_0:
called_computation.2_lowered:
.L_overlay_start_0:
0x88: {  	s2 =	sld [smem:$0x3FD9]  }
0x89: {  	s3 =	sld [smem:$0x3FFE];
	_ =	sdelay $0x1  }
0x8a: {  	s1 =	srdreg.scid  }
0x8b: {  	s0 =	sand.u32 $0x1, s1  }
0x8c: {  	s14 =	sshll.u32 s0, $0xA;
	s2 =	sadd.s32 s3, s2  }
0x8d: {  	s2 =	sadd.s32 s2, s14  }
0x8e: {  	[smem:$0x3FC6] =	sst s2  }
0x8f: {  	_ = 	snop  }
0x90: {  	s2 =	sld [smem:$0x3FD0];
	_ =	sdelay $0x2  }
0x91: {  	s4 =	simm.s32 $0xA;
	s5 =	simm.s32 $0x10;
	s15 =	sld [smem:$0x3FC8]  }
0x92: {  	[smem:s5], [sflag:s4] =	dma.local [hbm:s2], $0x1  }
0x93: {  	_ =	swait.eq [sflag:s4], $0x1  }
0x94: {  	[sflag:s4] =	ssyncset.done $0x0  }
0x95: {  	[sflag:s4] =	ssyncadd.s32 $0xFFFFFFFF  }
0x96: {  	s16 =	sld [smem:$0x10];
	(tm) =	ssettm $0x1  }
0x97: {  	s17 =	sld [smem:$0x3FFB];
	_ =	sdelay $0x3  }
0x98: {  	_ =	strace s17  }
0x99: {  	s4 =	sld [smem:$0x3FFC];
	_ =	sdelay $0x3  }
0x9a: {  	_ =	strace s4  }
0x9b: {  	s4 =	sld [smem:$0x3FFD];
	_ =	sdelay $0x3  }
0x9c: {  	_ =	strace s4  }
0x9d: {  	_ =	strace $0x8FFFFFFF  }
0x9e: {  	s18 =	sld [smem:$0x3FDB];
	_ =	sdelay $0x1  }
0x9f: {  	s19 =	simm.s32 $_scs_section_size  }
0xa0: {  	s6 =	simm.s32 $_size__tile_overlayer_lowered;
	s7 =	simm.s32 $_tile_overlayer_lowered  }
0xa1: {  	s22 =	simm.s32 $0x1BFF;
	s21 =	sshll.u32 s7, $0x1;
	s4 =	sadd.s32 s19, s18  }
0xa2: {  	s8 =	simm.s32 $0x0;
	s20 =	sshll.u32 s6, $0x1;
	s6 =	sadd.s32 s21, s4  }
0xa3: {  	[timem:s8], [sflag:s22] =	dma.local [hbm:s6], s20  }
0xa4: {  	_ =	swait.ge [sflag:s22], s20  }
0xa5: {  	s5 =	ssub.s32 $0x0, s20;
	[sflag:s22] =	ssyncset.done $0x0  }
0xa6: {  	[sflag:s22] =	ssyncadd.s32 s5;
	_ =	sdelay $0x1  }
0xa7: {  	s23 =	simm.s32 $0x1B8B  }
0xa8: {  	_ =	swait.ge [sflag:s23], $0x1  }
0xa9: {  	[sflag:s23] =	ssyncset.done $0x0  }
0xaa: {  	s25 =	simm.s32 $0x1B8E;
	s24 =	sld [smem:$0x3FFE];
	[sflag:s23] =	ssyncadd.s32 $0xFFFFFFFF  }
0xab: {  	s26 =	simm.s32 $execute0_lowered;
	[smem:$0x3FD2] =	sst s25  }
0xac: {  	s6 =	sshll.u32 s26, $0x1;
	_ =	strace $0x8000004C;
	[dreg:$0x1] =	wrdreg $0xFFFFFFFF  }
0xad: {  	s28 =	simm.s32 $_size_execute0_lowered;
	s4 =	sadd.s32 s4, s6;
	[dreg:$0x0] =	wrdreg $0x0  }
0xae: {  	s6 =	sshll.u32 s28, $0x1;
	[dreg:$0x2] =	wrdreg s4  }
0xaf: {  	[dreg:$0x3] =	wrdreg s6  }
0xb0: {  	[dreg:$0x4] =	wrdreg $0xC0  }
0xb1: {  	_ =	task [dreg:s8], $0x5FFFF  }
0xb2: {  	[dreg:$0x1] =	wrdreg $0xFFFFFFFF  }
0xb3: {  	[dreg:$0x0] =	wrdreg $0x60  }
0xb4: {  	[dreg:$0x2] =	wrdreg s24  }
0xb5: {  	[dreg:$0x3] =	wrdreg s15  }
0xb6: {  	[dreg:$0x4] =	wrdreg s16  }
0xb7: {  	[dreg:$0x5] =	wrdreg $0x9  }
0xb8: {  	_ =	task.clear_ibuf [dreg:s8], $0x6FFFF;
	_ =	strace $0x9000004C  }
0xb9: {  	s29 =	simm.s32 $0x9;
	_ =	strace $0x8000004E  }
0xba: {  	_ =	swait.ge [sflag:s29], $0x1  }
0xbb: {  	[sflag:s29] =	ssyncadd.s32 $0xFFFFFFFF  }
0xbc: {  	_ =	strace $0x9000004E  }
0xbd: {  	_ =	sfence  }
0xbe: {  	s30 =	sld [smem:$0x0];
	_ =	sdelay $0x2  }
0xbf: {  	s31 =	sshll.u32 s1, $0xD;
	s1 =	sshrl.u32 s1, $0x2  }
0xc0: {  	s3 =	sand.u32 $0x4000, s31;
	s1 =	sadd.s32 s1, s30  }
0xc1: {  	s0 =	sor.u32 s3, s0;
	s1 =	sshll.u32 s1, $0x11  }
0xc2: {  	s0 =	sor.u32 s1, s0  }
0xc3: {  	s0 =	sadd.s32 $0x8F2B, s0  }
0xc4: {  	[sflag:s0] =	ssyncadd.remote.s32 $0x1  }
0xc5: {  	_ =	sfence.sel $0xFFFF  }
0xc6: {  	[dreg:$0x0] =	wrdreg $0xFFFFFFFF;
	(pc) =	sbr.abs _section_cstart, $3  }
0xc7: {  	[dreg:$0x1] =	wrdreg $0xFFFFFFFF  }
0xc8: {  	_ =	task.clear_ibuf [dreg:s8], $0x2FFFF;
	_ =	strace $0x9FFFFFFF  }
0xc9: {  	(tm) =	ssettm $0x7FFFFFFF  }
tec
execute0_lowered:
.L_overlay_start_1:
0x0: {  	(tag) =	ssettag $0x1  }
0x1: {  	s1 =	srdreg.scid;
	s0 =	stileid.u32  }
0x2: {  	s1 =	sand.u32 $0x1, s1;
	s2 =	sshll.u32 s0, $0x1  }
0x3: {  	s4 =	rddreg [dreg:$0x0];
	s3 =	sor.u32 s1, s2  }
0x4: {  	s6 =	rddreg [dreg:$0x2];
	s5 =	smul.u32 $0x30, s3  }
0x5: {  	s2 =	rddreg [dreg:$0x1];
	s7 =	smul.u32 $0x18000, s3;
	s3 =	simm.s32 $0x0  }
0x6: {  	s25 =	simm.s32 $0x980;
	[smem:$0x7FF] =	sst s3  }
0x7: {  	s26 =	simm.s32 $0x1180;
	_ =	strace $0x8000004D;
	[dreg:$0x7] =	wrdreg s25  }
0x8: {  	s0 =	simm.s32 $0x1980;
	[dreg:$0x8] =	wrdreg s26  }
0x9: {  	s8 =	simm.s32 $0x3980;
	[dreg:$0x9] =	wrdreg s0  }
0xa: {  	s9 =	simm.s32 $0x4180;
	[dreg:$0xd] =	wrdreg s8  }
0xb: {  	s10 =	simm.s32 $0x4980;
	[dreg:$0xe] =	wrdreg s9  }
0xc: {  	s11 =	simm.s32 $0x5180;
	[dreg:$0xf] =	wrdreg s10  }
0xd: {  	s12 =	simm.s32 $0x5980;
	[dreg:$0x10] =	wrdreg s11  }
0xe: {  	s13 =	simm.s32 $0x6180;
	[dreg:$0x11] =	wrdreg s12  }
0xf: {  	s14 =	simm.s32 $0x6980;
	[dreg:$0x12] =	wrdreg s13  }
0x10: {  	s15 =	simm.s32 $0x7180;
	[dreg:$0x13] =	wrdreg s14  }
0x11: {  	s16 =	simm.s32 $0x7980;
	s17 =	simm.s32 $0x8180;
	[dreg:$0x14] =	wrdreg s15  }
0x12: {  	s18 =	simm.s32 $0x8980;
	s19 =	simm.s32 $0x9180;
	[dreg:$0x15] =	wrdreg s16  }
0x13: {  	s20 =	simm.s32 $0x9980;
	s21 =	simm.s32 $0xA180;
	[dreg:$0x16] =	wrdreg s17  }
0x14: {  	s28 =	simm.s32 $0x16980;
	s29 =	simm.s32 $0x17180;
	[dreg:$0x17] =	wrdreg s18  }
0x15: {  	s30 =	simm.s32 $0x17980;
	s31 =	simm.s32 $0x1;
	[dreg:$0x18] =	wrdreg s19  }
0x16: {  	s1 =	ssub.s32 $0x2, s1;
	s4 =	sadd.s32 s5, s4;
	[dreg:$0x19] =	wrdreg s20  }
0x17: {  	s22 =	sshrl.u32 s7, $0x3;
	s7 =	simm.s32 $0x3180;
	[dreg:$0x1a] =	wrdreg s21  }
0x18: {  	s25 =	simm.s32 $0xB980;
	s26 =	simm.s32 $0xC980;
	s9 =	simm.s32 $0xD980  }
0x19: {  	s10 =	simm.s32 $0xE180;
	s11 =	simm.s32 $0xE980;
	s12 =	simm.s32 $0xF180  }
0x1a: {  	s13 =	simm.s32 $0xF980;
	s14 =	simm.s32 $0x10180;
	s15 =	simm.s32 $0x10980  }
0x1b: {  	s16 =	simm.s32 $0x11180;
	s17 =	simm.s32 $0x11980;
	s18 =	simm.s32 $0x12180  }
0x1c: {  	s19 =	simm.s32 $0x12980;
	s20 =	simm.s32 $0x13180;
	[dreg:$0xc] =	wrdreg s7  }
0x1d: {  	s21 =	simm.s32 $0x13980;
	s4 =	sadd.s32 $0x3400, s4;
	[dreg:$0x1d] =	wrdreg s25  }
0x1e: {  	s5 =	sadd.s32 s6, s22;
	s6 =	simm.s32 $0x2980;
	[dreg:$0x1e] =	wrdreg s26  }
0x1f: {  	s22 =	sshrl.u32 s1, $0x1;
	s7 =	simm.s32 $0xC180;
	[dreg:$0x4] =	wrdreg s4  }
0x20: {  	s25 =	simm.s32 $0x15980;
	s23 =	sadd.s32 $0xC0000, s5;
	[dreg:$0xb] =	wrdreg s6  }
0x21: {  	s26 =	simm.s32 $0x16180;
	s24 =	sadd.s32 $0xC1800, s5;
	[dreg:$0x5] =	wrdreg s23  }
0x22: {  	s5 =	simm.s32 $0x2180;
	s1 =	ssub.s32 s1, s22;
	[dreg:$0x6] =	wrdreg s24  }
0x23: {  	s6 =	simm.s32 $0x180;
	s22 =	simm.s32 $0x14180;
	[dreg:$0xa] =	wrdreg s5  }
0x24: {  	v2 =	vlaneseq.u32;
	s23 =	simm.s32 $0xA980;
	s24 =	simm.s32 $0xB180;
	s4 =	smax.u32 s1, $0x1  }
0x25: {  	vm0 =	vmmov $0xffff;
	v1 =	vshrl.u32 v2, $0x3;
	s5 =	simm.s32 $0x3;
	s1 =	simm.s32 $0x2;
	[dreg:$0x1b] =	wrdreg s23  }
0x26: {  	v0 =	vand.u32 $0x7, v2;
	v2 =	vor.u32 $0x8, v2;
	v1 =	vmul.u32 $0x8, v1;
	[dreg:$0x1c] =	wrdreg s24;
	s23 =	simm.s32 $0x14980;
	s24 =	simm.s32 $0x15180  }
.LBB2_1:
0x27: {  	s0 =	rddreg [dreg:$0x4]  }
0x28: {  	[tilespmem:s3], [sflag:$0x3] =	stream.linear.gather [hbm4b:s0+s3], $0x180, $0x38;
	[tilespmem:$0x18180] =	vst v63  }
0x29: {  	_ =	swait.ge [sflag:s5], $0x180  }
0x2a: {  	[sflag:s5] =	ssyncset.done $0x0  }
0x2b: {  	[sflag:s5] =	ssyncadd.s32 $0xFFFFFE80  }
0x2c: {  	v3 =	vld [tilespmem:$0x0];
	_ =	sdelay $0x4  }
0x2d: {  	v4 =	vshll.u32 v3, $0x1  }
0x2e: {  	v3 =	vand.u32 $0x7, v3;
	v4 =	vand.u32 $0xFFFFFFF0, v4  }
0x2f: {  	v3 =	vor.u32 v3, v4  }
0x30: {  	v4 =	vperm.xlane v3, v0;
	_ =	sdelay $0x1  }
0x31: {  	v3 =	vperm.xlane v3, v2;
	v4 =	vadd.s32 v1, v4;
	_ =	sdelay $0x1  }
0x32: {  	v3 =	vadd.s32 v1, v3;
	_ =	sdelay $0x2  }
0x33: {  	[tilespmem:s6], [sflag:$0x1] =	stream.indirect_vreg.gather [hbm4b:s2+s3], $0x80, v4, vm0, $0xb8;
	[tilespmem:$0x18180] =	vst v63  }
0x34: {  	s8 =	rddreg [dreg:$0x7]  }
0x35: {  	[tilespmem:s8], [sflag:$0x1] =	stream.indirect_vreg.gather [hbm4b:s2+s3], $0x80, v3, vm0, $0xb8;
	[tilespmem:$0x18180] =	vst v63  }
0x36: {  	v3 =	vld [tilespmem:$0x10];
	_ =	sdelay $0x4  }
0x37: {  	v41 =	vshll.u32 v3, $0x1  }
0x38: {  	v3 =	vand.u32 $0x7, v3;
	v4 =	vand.u32 $0xFFFFFFF0, v41  }
0x39: {  	v3 =	vor.u32 v3, v4  }
0x3a: {  	v4 =	vperm.xlane v3, v0;
	_ =	sdelay $0x1  }
0x3b: {  	v3 =	vperm.xlane v3, v2;
	v4 =	vadd.s32 v1, v4;
	_ =	sdelay $0x1  }
0x3c: {  	v3 =	vadd.s32 v1, v3;
	_ =	sdelay $0x1  }
0x3d: {  	s0 =	rddreg [dreg:$0x8]  }
0x3e: {  	[tilespmem:s0], [sflag:$0x1] =	stream.indirect_vreg.gather [hbm4b:s2+s3], $0x80, v4, vm0, $0xb8;
	[tilespmem:$0x18180] =	vst v63  }
0x3f: {  	s8 =	rddreg [dreg:$0x9]  }
0x40: {  	[tilespmem:s8], [sflag:$0x1] =	stream.indirect_vreg.gather [hbm4b:s2+s3], $0x80, v3, vm0, $0xb8;
	[tilespmem:$0x18180] =	vst v63  }
0x41: {  	v3 =	vld [tilespmem:$0x20];
	_ =	sdelay $0x4  }
0x42: {  	v42 =	vshll.u32 v3, $0x1  }
0x43: {  	v3 =	vand.u32 $0x7, v3;
	v4 =	vand.u32 $0xFFFFFFF0, v42  }
0x44: {  	v3 =	vor.u32 v3, v4  }
0x45: {  	v4 =	vperm.xlane v3, v0;
	_ =	sdelay $0x1  }
0x46: {  	v3 =	vperm.xlane v3, v2;
	v4 =	vadd.s32 v1, v4;
	_ =	sdelay $0x1  }
0x47: {  	v3 =	vadd.s32 v1, v3;
	_ =	sdelay $0x1  }
0x48: {  	s0 =	rddreg [dreg:$0xa]  }
0x49: {  	[tilespmem:s0], [sflag:$0x1] =	stream.indirect_vreg.gather [hbm4b:s2+s3], $0x80, v4, vm0, $0xb8;
	[tilespmem:$0x18180] =	vst v63  }
0x4a: {  	s8 =	rddreg [dreg:$0xb]  }
0x4b: {  	[tilespmem:s8], [sflag:$0x1] =	stream.indirect_vreg.gather [hbm4b:s2+s3], $0x80, v3, vm0, $0xb8;
	[tilespmem:$0x18180] =	vst v63  }
0x4c: {  	v3 =	vld [tilespmem:$0x30];
	_ =	sdelay $0x4  }
0x4d: {  	v43 =	vshll.u32 v3, $0x1  }
0x4e: {  	v3 =	vand.u32 $0x7, v3;
	v4 =	vand.u32 $0xFFFFFFF0, v43  }
0x4f: {  	v3 =	vor.u32 v3, v4  }
0x50: {  	v4 =	vperm.xlane v3, v0;
	_ =	sdelay $0x1  }
0x51: {  	v3 =	vperm.xlane v3, v2;
	v4 =	vadd.s32 v1, v4;
	_ =	sdelay $0x1  }
0x52: {  	v3 =	vadd.s32 v1, v3;
	_ =	sdelay $0x1  }
0x53: {  	s0 =	rddreg [dreg:$0xc]  }
0x54: {  	[tilespmem:s0], [sflag:$0x1] =	stream.indirect_vreg.gather [hbm4b:s2+s3], $0x80, v4, vm0, $0xb8;
	[tilespmem:$0x18180] =	vst v63  }
0x55: {  	s8 =	rddreg [dreg:$0xd]  }
0x56: {  	[tilespmem:s8], [sflag:$0x1] =	stream.indirect_vreg.gather [hbm4b:s2+s3], $0x80, v3, vm0, $0xb8;
	[tilespmem:$0x18180] =	vst v63  }
0x57: {  	v3 =	vld [tilespmem:$0x40];
	_ =	sdelay $0x4  }
0x58: {  	v44 =	vshll.u32 v3, $0x1  }
0x59: {  	v3 =	vand.u32 $0x7, v3;
	v4 =	vand.u32 $0xFFFFFFF0, v44  }
0x5a: {  	v3 =	vor.u32 v3, v4  }
0x5b: {  	v4 =	vperm.xlane v3, v0;
	_ =	sdelay $0x1  }
0x5c: {  	v3 =	vperm.xlane v3, v2;
	v4 =	vadd.s32 v1, v4;
	_ =	sdelay $0x1  }
0x5d: {  	v3 =	vadd.s32 v1, v3;
	_ =	sdelay $0x1  }
0x5e: {  	s0 =	rddreg [dreg:$0xe]  }
0x5f: {  	[tilespmem:s0], [sflag:$0x1] =	stream.indirect_vreg.gather [hbm4b:s2+s3], $0x80, v4, vm0, $0xb8;
	[tilespmem:$0x18180] =	vst v63  }
0x60: {  	s8 =	rddreg [dreg:$0xf]  }
0x61: {  	[tilespmem:s8], [sflag:$0x1] =	stream.indirect_vreg.gather [hbm4b:s2+s3], $0x80, v3, vm0, $0xb8;
	[tilespmem:$0x18180] =	vst v63  }
0x62: {  	v3 =	vld [tilespmem:$0x50];
	_ =	sdelay $0x4  }
0x63: {  	v45 =	vshll.u32 v3, $0x1  }
0x64: {  	v3 =	vand.u32 $0x7, v3;
	v4 =	vand.u32 $0xFFFFFFF0, v45  }
0x65: {  	v3 =	vor.u32 v3, v4  }
0x66: {  	v4 =	vperm.xlane v3, v0;
	_ =	sdelay $0x1  }
0x67: {  	v3 =	vperm.xlane v3, v2;
	v4 =	vadd.s32 v1, v4;
	_ =	sdelay $0x1  }
0x68: {  	v3 =	vadd.s32 v1, v3;
	_ =	sdelay $0x1  }
0x69: {  	s0 =	rddreg [dreg:$0x10]  }
0x6a: {  	[tilespmem:s0], [sflag:$0x1] =	stream.indirect_vreg.gather [hbm4b:s2+s3], $0x80, v4, vm0, $0xb8;
	[tilespmem:$0x18180] =	vst v63  }
0x6b: {  	s8 =	rddreg [dreg:$0x11]  }
0x6c: {  	[tilespmem:s8], [sflag:$0x1] =	stream.indirect_vreg.gather [hbm4b:s2+s3], $0x80, v3, vm0, $0xb8;
	[tilespmem:$0x18180] =	vst v63  }
0x6d: {  	v3 =	vld [tilespmem:$0x60];
	_ =	sdelay $0x4  }
0x6e: {  	v46 =	vshll.u32 v3, $0x1  }
0x6f: {  	v3 =	vand.u32 $0x7, v3;
	v4 =	vand.u32 $0xFFFFFFF0, v46  }
0x70: {  	v3 =	vor.u32 v3, v4  }
0x71: {  	v4 =	vperm.xlane v3, v0;
	_ =	sdelay $0x1  }
0x72: {  	v3 =	vperm.xlane v3, v2;
	v4 =	vadd.s32 v1, v4;
	_ =	sdelay $0x1  }
0x73: {  	v3 =	vadd.s32 v1, v3;
	_ =	sdelay $0x1  }
0x74: {  	s0 =	rddreg [dreg:$0x12]  }
0x75: {  	[tilespmem:s0], [sflag:$0x1] =	stream.indirect_vreg.gather [hbm4b:s2+s3], $0x80, v4, vm0, $0xb8;
	[tilespmem:$0x18180] =	vst v63  }
0x76: {  	s8 =	rddreg [dreg:$0x13]  }
0x77: {  	[tilespmem:s8], [sflag:$0x1] =	stream.indirect_vreg.gather [hbm4b:s2+s3], $0x80, v3, vm0, $0xb8;
	[tilespmem:$0x18180] =	vst v63  }
0x78: {  	v3 =	vld [tilespmem:$0x70];
	_ =	sdelay $0x4  }
0x79: {  	v47 =	vshll.u32 v3, $0x1  }
0x7a: {  	v3 =	vand.u32 $0x7, v3;
	v4 =	vand.u32 $0xFFFFFFF0, v47  }
0x7b: {  	v3 =	vor.u32 v3, v4  }
0x7c: {  	v4 =	vperm.xlane v3, v0;
	_ =	sdelay $0x1  }
0x7d: {  	v3 =	vperm.xlane v3, v2;
	v4 =	vadd.s32 v1, v4;
	_ =	sdelay $0x1  }
0x7e: {  	v3 =	vadd.s32 v1, v3;
	_ =	sdelay $0x1  }
0x7f: {  	s0 =	rddreg [dreg:$0x14]  }
0x80: {  	[tilespmem:s0], [sflag:$0x1] =	stream.indirect_vreg.gather [hbm4b:s2+s3], $0x80, v4, vm0, $0xb8;
	[tilespmem:$0x18180] =	vst v63  }
0x81: {  	s8 =	rddreg [dreg:$0x15]  }
0x82: {  	[tilespmem:s8], [sflag:$0x1] =	stream.indirect_vreg.gather [hbm4b:s2+s3], $0x80, v3, vm0, $0xb8;
	[tilespmem:$0x18180] =	vst v63  }
0x83: {  	v3 =	vld [tilespmem:$0x80];
	_ =	sdelay $0x4  }
0x84: {  	v48 =	vshll.u32 v3, $0x1  }
0x85: {  	v3 =	vand.u32 $0x7, v3;
	v4 =	vand.u32 $0xFFFFFFF0, v48  }
0x86: {  	v3 =	vor.u32 v3, v4  }
0x87: {  	v4 =	vperm.xlane v3, v0;
	_ =	sdelay $0x1  }
0x88: {  	v3 =	vperm.xlane v3, v2;
	v4 =	vadd.s32 v1, v4;
	_ =	sdelay $0x1  }
0x89: {  	v3 =	vadd.s32 v1, v3;
	_ =	sdelay $0x1  }
0x8a: {  	s0 =	rddreg [dreg:$0x16]  }
0x8b: {  	[tilespmem:s0], [sflag:$0x1] =	stream.indirect_vreg.gather [hbm4b:s2+s3], $0x80, v4, vm0, $0xb8;
	[tilespmem:$0x18180] =	vst v63  }
0x8c: {  	s8 =	rddreg [dreg:$0x17]  }
0x8d: {  	[tilespmem:s8], [sflag:$0x1] =	stream.indirect_vreg.gather [hbm4b:s2+s3], $0x80, v3, vm0, $0xb8;
	[tilespmem:$0x18180] =	vst v63  }
0x8e: {  	v3 =	vld [tilespmem:$0x90];
	_ =	sdelay $0x4  }
0x8f: {  	v49 =	vshll.u32 v3, $0x1  }
0x90: {  	v3 =	vand.u32 $0x7, v3;
	v4 =	vand.u32 $0xFFFFFFF0, v49  }
0x91: {  	v3 =	vor.u32 v3, v4  }
0x92: {  	v4 =	vperm.xlane v3, v0;
	_ =	sdelay $0x1  }
0x93: {  	v3 =	vperm.xlane v3, v2;
	v4 =	vadd.s32 v1, v4;
	_ =	sdelay $0x1  }
0x94: {  	v3 =	vadd.s32 v1, v3;
	_ =	sdelay $0x1  }
0x95: {  	s0 =	rddreg [dreg:$0x18]  }
0x96: {  	[tilespmem:s0], [sflag:$0x1] =	stream.indirect_vreg.gather [hbm4b:s2+s3], $0x80, v4, vm0, $0xb8;
	[tilespmem:$0x18180] =	vst v63  }
0x97: {  	s8 =	rddreg [dreg:$0x19]  }
0x98: {  	[tilespmem:s8], [sflag:$0x1] =	stream.indirect_vreg.gather [hbm4b:s2+s3], $0x80, v3, vm0, $0xb8;
	[tilespmem:$0x18180] =	vst v63  }
0x99: {  	v3 =	vld [tilespmem:$0xA0];
	_ =	sdelay $0x4  }
0x9a: {  	v50 =	vshll.u32 v3, $0x1  }
0x9b: {  	v3 =	vand.u32 $0x7, v3;
	v4 =	vand.u32 $0xFFFFFFF0, v50  }
0x9c: {  	v3 =	vor.u32 v3, v4  }
0x9d: {  	v4 =	vperm.xlane v3, v0;
	_ =	sdelay $0x1  }
0x9e: {  	v3 =	vperm.xlane v3, v2;
	v4 =	vadd.s32 v1, v4;
	_ =	sdelay $0x1  }
0x9f: {  	v3 =	vadd.s32 v1, v3;
	_ =	sdelay $0x1  }
0xa0: {  	s0 =	rddreg [dreg:$0x1a]  }
0xa1: {  	[tilespmem:s0], [sflag:$0x1] =	stream.indirect_vreg.gather [hbm4b:s2+s3], $0x80, v4, vm0, $0xb8;
	[tilespmem:$0x18180] =	vst v63  }
0xa2: {  	s8 =	rddreg [dreg:$0x1b]  }
0xa3: {  	[tilespmem:s8], [sflag:$0x1] =	stream.indirect_vreg.gather [hbm4b:s2+s3], $0x80, v3, vm0, $0xb8;
	[tilespmem:$0x18180] =	vst v63  }
0xa4: {  	v3 =	vld [tilespmem:$0xB0];
	_ =	sdelay $0x4  }
0xa5: {  	v51 =	vshll.u32 v3, $0x1  }
0xa6: {  	v3 =	vand.u32 $0x7, v3;
	v4 =	vand.u32 $0xFFFFFFF0, v51  }
0xa7: {  	v3 =	vor.u32 v3, v4  }
0xa8: {  	v4 =	vperm.xlane v3, v0;
	_ =	sdelay $0x1  }
0xa9: {  	v3 =	vperm.xlane v3, v2;
	v4 =	vadd.s32 v1, v4;
	_ =	sdelay $0x1  }
0xaa: {  	v3 =	vadd.s32 v1, v3;
	_ =	sdelay $0x1  }
0xab: {  	s0 =	rddreg [dreg:$0x1c]  }
0xac: {  	[tilespmem:s0], [sflag:$0x1] =	stream.indirect_vreg.gather [hbm4b:s2+s3], $0x80, v4, vm0, $0xb8;
	[tilespmem:$0x18180] =	vst v63  }
0xad: {  	s8 =	rddreg [dreg:$0x1d]  }
0xae: {  	[tilespmem:s8], [sflag:$0x1] =	stream.indirect_vreg.gather [hbm4b:s2+s3], $0x80, v3, vm0, $0xb8;
	[tilespmem:$0x18180] =	vst v63  }
0xaf: {  	v3 =	vld [tilespmem:$0xC0];
	_ =	sdelay $0x4  }
0xb0: {  	v52 =	vshll.u32 v3, $0x1  }
0xb1: {  	v3 =	vand.u32 $0x7, v3;
	v4 =	vand.u32 $0xFFFFFFF0, v52  }
0xb2: {  	v3 =	vor.u32 v3, v4  }
0xb3: {  	v4 =	vperm.xlane v3, v0;
	_ =	sdelay $0x1  }
0xb4: {  	v3 =	vperm.xlane v3, v2;
	v4 =	vadd.s32 v1, v4;
	_ =	sdelay $0x1  }
0xb5: {  	v3 =	vadd.s32 v1, v3;
	_ =	sdelay $0x2  }
0xb6: {  	[tilespmem:s7], [sflag:$0x2] =	stream.indirect_vreg.gather [hbm4b:s2+s3], $0x80, v4, vm0, $0xb8;
	[tilespmem:$0x18180] =	vst v63  }
0xb7: {  	s8 =	rddreg [dreg:$0x1e]  }
0xb8: {  	[tilespmem:s8], [sflag:$0x2] =	stream.indirect_vreg.gather [hbm4b:s2+s3], $0x80, v3, vm0, $0xb8;
	[tilespmem:$0x18180] =	vst v63  }
0xb9: {  	v3 =	vld [tilespmem:$0xD0];
	_ =	sdelay $0x4  }
0xba: {  	v53 =	vshll.u32 v3, $0x1  }
0xbb: {  	v3 =	vand.u32 $0x7, v3;
	v4 =	vand.u32 $0xFFFFFFF0, v53  }
0xbc: {  	v3 =	vor.u32 v3, v4  }
0xbd: {  	v4 =	vperm.xlane v3, v0;
	_ =	sdelay $0x1  }
0xbe: {  	v3 =	vperm.xlane v3, v2;
	v4 =	vadd.s32 v1, v4;
	_ =	sdelay $0x1  }
0xbf: {  	v3 =	vadd.s32 v1, v3;
	_ =	sdelay $0x1  }
0xc0: {  	s8 =	simm.s32 $0xD180  }
0xc1: {  	[tilespmem:s8], [sflag:$0x2] =	stream.indirect_vreg.gather [hbm4b:s2+s3], $0x80, v4, vm0, $0xb8;
	[tilespmem:$0x18180] =	vst v63  }
0xc2: {  	_ = 	snop  }
0xc3: {  	[tilespmem:s9], [sflag:$0x2] =	stream.indirect_vreg.gather [hbm4b:s2+s3], $0x80, v3, vm0, $0xb8;
	[tilespmem:$0x18180] =	vst v63  }
0xc4: {  	v3 =	vld [tilespmem:$0xE0];
	_ =	sdelay $0x4  }
0xc5: {  	v54 =	vshll.u32 v3, $0x1  }
0xc6: {  	v3 =	vand.u32 $0x7, v3;
	v4 =	vand.u32 $0xFFFFFFF0, v54  }
0xc7: {  	v3 =	vor.u32 v3, v4  }
0xc8: {  	v4 =	vperm.xlane v3, v0;
	_ =	sdelay $0x1  }
0xc9: {  	v3 =	vperm.xlane v3, v2;
	v4 =	vadd.s32 v1, v4;
	_ =	sdelay $0x1  }
0xca: {  	v3 =	vadd.s32 v1, v3;
	_ =	sdelay $0x2  }
0xcb: {  	[tilespmem:s10], [sflag:$0x2] =	stream.indirect_vreg.gather [hbm4b:s2+s3], $0x80, v4, vm0, $0xb8;
	[tilespmem:$0x18180] =	vst v63  }
0xcc: {  	_ = 	snop  }
0xcd: {  	[tilespmem:s11], [sflag:$0x2] =	stream.indirect_vreg.gather [hbm4b:s2+s3], $0x80, v3, vm0, $0xb8;
	[tilespmem:$0x18180] =	vst v63  }
0xce: {  	v3 =	vld [tilespmem:$0xF0];
	_ =	sdelay $0x4  }
0xcf: {  	v55 =	vshll.u32 v3, $0x1  }
0xd0: {  	v3 =	vand.u32 $0x7, v3;
	v4 =	vand.u32 $0xFFFFFFF0, v55  }
0xd1: {  	v3 =	vor.u32 v3, v4  }
0xd2: {  	v4 =	vperm.xlane v3, v0;
	_ =	sdelay $0x1  }
0xd3: {  	v3 =	vperm.xlane v3, v2;
	v4 =	vadd.s32 v1, v4;
	_ =	sdelay $0x1  }
0xd4: {  	v3 =	vadd.s32 v1, v3;
	_ =	sdelay $0x2  }
0xd5: {  	[tilespmem:s12], [sflag:$0x2] =	stream.indirect_vreg.gather [hbm4b:s2+s3], $0x80, v4, vm0, $0xb8;
	[tilespmem:$0x18180] =	vst v63  }
0xd6: {  	_ = 	snop  }
0xd7: {  	[tilespmem:s13], [sflag:$0x2] =	stream.indirect_vreg.gather [hbm4b:s2+s3], $0x80, v3, vm0, $0xb8;
	[tilespmem:$0x18180] =	vst v63  }
0xd8: {  	v3 =	vld [tilespmem:$0x100];
	_ =	sdelay $0x4  }
0xd9: {  	v56 =	vshll.u32 v3, $0x1  }
0xda: {  	v3 =	vand.u32 $0x7, v3;
	v4 =	vand.u32 $0xFFFFFFF0, v56  }
0xdb: {  	v3 =	vor.u32 v3, v4  }
0xdc: {  	v4 =	vperm.xlane v3, v0;
	_ =	sdelay $0x1  }
0xdd: {  	v3 =	vperm.xlane v3, v2;
	v4 =	vadd.s32 v1, v4;
	_ =	sdelay $0x1  }
0xde: {  	v3 =	vadd.s32 v1, v3;
	_ =	sdelay $0x2  }
0xdf: {  	[tilespmem:s14], [sflag:$0x2] =	stream.indirect_vreg.gather [hbm4b:s2+s3], $0x80, v4, vm0, $0xb8;
	[tilespmem:$0x18180] =	vst v63  }
0xe0: {  	_ = 	snop  }
0xe1: {  	[tilespmem:s15], [sflag:$0x2] =	stream.indirect_vreg.gather [hbm4b:s2+s3], $0x80, v3, vm0, $0xb8;
	[tilespmem:$0x18180] =	vst v63  }
0xe2: {  	v3 =	vld [tilespmem:$0x110];
	_ =	sdelay $0x4  }
0xe3: {  	v57 =	vshll.u32 v3, $0x1  }
0xe4: {  	v3 =	vand.u32 $0x7, v3;
	v4 =	vand.u32 $0xFFFFFFF0, v57  }
0xe5: {  	v3 =	vor.u32 v3, v4  }
0xe6: {  	v4 =	vperm.xlane v3, v0;
	_ =	sdelay $0x1  }
0xe7: {  	v3 =	vperm.xlane v3, v2;
	v4 =	vadd.s32 v1, v4;
	_ =	sdelay $0x1  }
0xe8: {  	v3 =	vadd.s32 v1, v3;
	_ =	sdelay $0x2  }
0xe9: {  	[tilespmem:s16], [sflag:$0x2] =	stream.indirect_vreg.gather [hbm4b:s2+s3], $0x80, v4, vm0, $0xb8;
	[tilespmem:$0x18180] =	vst v63  }
0xea: {  	_ = 	snop  }
0xeb: {  	[tilespmem:s17], [sflag:$0x2] =	stream.indirect_vreg.gather [hbm4b:s2+s3], $0x80, v3, vm0, $0xb8;
	[tilespmem:$0x18180] =	vst v63  }
0xec: {  	v3 =	vld [tilespmem:$0x120];
	_ =	sdelay $0x4  }
0xed: {  	v58 =	vshll.u32 v3, $0x1  }
0xee: {  	v3 =	vand.u32 $0x7, v3;
	v4 =	vand.u32 $0xFFFFFFF0, v58  }
0xef: {  	v3 =	vor.u32 v3, v4  }
0xf0: {  	v4 =	vperm.xlane v3, v0;
	_ =	sdelay $0x1  }
0xf1: {  	v3 =	vperm.xlane v3, v2;
	v4 =	vadd.s32 v1, v4;
	_ =	sdelay $0x1  }
0xf2: {  	v3 =	vadd.s32 v1, v3;
	_ =	sdelay $0x2  }
0xf3: {  	[tilespmem:s18], [sflag:$0x2] =	stream.indirect_vreg.gather [hbm4b:s2+s3], $0x80, v4, vm0, $0xb8;
	[tilespmem:$0x18180] =	vst v63  }
0xf4: {  	_ = 	snop  }
0xf5: {  	[tilespmem:s19], [sflag:$0x2] =	stream.indirect_vreg.gather [hbm4b:s2+s3], $0x80, v3, vm0, $0xb8;
	[tilespmem:$0x18180] =	vst v63  }
0xf6: {  	v3 =	vld [tilespmem:$0x130];
	_ =	sdelay $0x4  }
0xf7: {  	v59 =	vshll.u32 v3, $0x1  }
0xf8: {  	v3 =	vand.u32 $0x7, v3;
	v4 =	vand.u32 $0xFFFFFFF0, v59  }
0xf9: {  	v3 =	vor.u32 v3, v4  }
0xfa: {  	v4 =	vperm.xlane v3, v0;
	_ =	sdelay $0x1  }
0xfb: {  	v3 =	vperm.xlane v3, v2;
	v4 =	vadd.s32 v1, v4;
	_ =	sdelay $0x1  }
0xfc: {  	v3 =	vadd.s32 v1, v3;
	_ =	sdelay $0x2  }
0xfd: {  	[tilespmem:s20], [sflag:$0x2] =	stream.indirect_vreg.gather [hbm4b:s2+s3], $0x80, v4, vm0, $0xb8;
	[tilespmem:$0x18180] =	vst v63  }
0xfe: {  	_ = 	snop  }
0xff: {  	[tilespmem:s21], [sflag:$0x2] =	stream.indirect_vreg.gather [hbm4b:s2+s3], $0x80, v3, vm0, $0xb8;
	[tilespmem:$0x18180] =	vst v63  }
0x100: {  	v3 =	vld [tilespmem:$0x140];
	_ =	sdelay $0x4  }
0x101: {  	v60 =	vshll.u32 v3, $0x1  }
0x102: {  	v3 =	vand.u32 $0x7, v3;
	v4 =	vand.u32 $0xFFFFFFF0, v60  }
0x103: {  	v3 =	vor.u32 v3, v4  }
0x104: {  	v4 =	vperm.xlane v3, v0;
	_ =	sdelay $0x1  }
0x105: {  	v3 =	vperm.xlane v3, v2;
	v4 =	vadd.s32 v1, v4;
	_ =	sdelay $0x1  }
0x106: {  	v3 =	vadd.s32 v1, v3;
	_ =	sdelay $0x2  }
0x107: {  	[tilespmem:s22], [sflag:$0x2] =	stream.indirect_vreg.gather [hbm4b:s2+s3], $0x80, v4, vm0, $0xb8;
	[tilespmem:$0x18180] =	vst v63  }
0x108: {  	_ = 	snop  }
0x109: {  	[tilespmem:s23], [sflag:$0x2] =	stream.indirect_vreg.gather [hbm4b:s2+s3], $0x80, v3, vm0, $0xb8;
	[tilespmem:$0x18180] =	vst v63  }
0x10a: {  	v3 =	vld [tilespmem:$0x150];
	_ =	sdelay $0x4  }
0x10b: {  	v61 =	vshll.u32 v3, $0x1  }
0x10c: {  	v3 =	vand.u32 $0x7, v3;
	v4 =	vand.u32 $0xFFFFFFF0, v61  }
0x10d: {  	v3 =	vor.u32 v3, v4  }
0x10e: {  	v4 =	vperm.xlane v3, v0;
	_ =	sdelay $0x1  }
0x10f: {  	v3 =	vperm.xlane v3, v2;
	v4 =	vadd.s32 v1, v4;
	_ =	sdelay $0x1  }
0x110: {  	v3 =	vadd.s32 v1, v3;
	_ =	sdelay $0x2  }
0x111: {  	[tilespmem:s24], [sflag:$0x2] =	stream.indirect_vreg.gather [hbm4b:s2+s3], $0x80, v4, vm0, $0xb8;
	[tilespmem:$0x18180] =	vst v63  }
0x112: {  	_ = 	snop  }
0x113: {  	[tilespmem:s25], [sflag:$0x2] =	stream.indirect_vreg.gather [hbm4b:s2+s3], $0x80, v3, vm0, $0xb8;
	[tilespmem:$0x18180] =	vst v63  }
0x114: {  	v3 =	vld [tilespmem:$0x160];
	_ =	sdelay $0x4  }
0x115: {  	v62 =	vshll.u32 v3, $0x1  }
0x116: {  	v3 =	vand.u32 $0x7, v3;
	v4 =	vand.u32 $0xFFFFFFF0, v62  }
0x117: {  	v3 =	vor.u32 v3, v4  }
0x118: {  	v4 =	vperm.xlane v3, v0;
	_ =	sdelay $0x1  }
0x119: {  	v3 =	vperm.xlane v3, v2;
	v4 =	vadd.s32 v1, v4;
	_ =	sdelay $0x1  }
0x11a: {  	v3 =	vadd.s32 v1, v3;
	_ =	sdelay $0x2  }
0x11b: {  	[tilespmem:s26], [sflag:$0x2] =	stream.indirect_vreg.gather [hbm4b:s2+s3], $0x80, v4, vm0, $0xb8;
	[tilespmem:$0x18180] =	vst v63  }
0x11c: {  	_ = 	snop  }
0x11d: {  	[tilespmem:s28], [sflag:$0x2] =	stream.indirect_vreg.gather [hbm4b:s2+s3], $0x80, v3, vm0, $0xb8;
	[tilespmem:$0x18180] =	vst v63  }
0x11e: {  	v3 =	vld [tilespmem:$0x170];
	_ =	sdelay $0x4  }
0x11f: {  	v63 =	vshll.u32 v3, $0x1  }
0x120: {  	v3 =	vand.u32 $0x7, v3;
	v4 =	vand.u32 $0xFFFFFFF0, v63  }
0x121: {  	v3 =	vor.u32 v3, v4  }
0x122: {  	v4 =	vperm.xlane v3, v0;
	_ =	sdelay $0x1  }
0x123: {  	v3 =	vperm.xlane v3, v2;
	v4 =	vadd.s32 v1, v4;
	_ =	sdelay $0x1  }
0x124: {  	v3 =	vadd.s32 v1, v3;
	_ =	sdelay $0x2  }
0x125: {  	[tilespmem:s29], [sflag:$0x2] =	stream.indirect_vreg.gather [hbm4b:s2+s3], $0x80, v4, vm0, $0xb8;
	[tilespmem:$0x18180] =	vst v63  }
0x126: {  	_ = 	snop  }
0x127: {  	[tilespmem:s30], [sflag:$0x2] =	stream.indirect_vreg.gather [hbm4b:s2+s3], $0x80, v3, vm0, $0xb8;
	[tilespmem:$0x18180] =	vst v63  }
0x128: {  	_ =	swait.ge [sflag:s31], $0xC000  }
0x129: {  	[sflag:s31] =	ssyncset.done $0x0  }
0x12a: {  	s8 =	rddreg [dreg:$0x5];
	[sflag:s31] =	ssyncadd.s32 $0xFFFF4000  }
0x12b: {  	[hbm4b:s8+s3] =	stream.linear.scatter [tilespmem:s6], [sflag:$0x3], $0xC000, $0x38;
	[tilespmem:$0x18180] =	vst v63  }
0x12c: {  	_ =	swait.ge [sflag:s5], $0xC000  }
0x12d: {  	[sflag:s5] =	ssyncset.done $0x0  }
0x12e: {  	[sflag:s5] =	ssyncadd.s32 $0xFFFF4000  }
0x12f: {  	_ =	swait.ge [sflag:s1], $0xC000  }
0x130: {  	p0 =	sne.s32 s4, $0x1;
	[sflag:s1] =	ssyncset.done $0x0  }
.Ltmp0:
0x131: {  	s8 =	rddreg [dreg:$0x6];
	[sflag:s1] =	ssyncadd.s32 $0xFFFF4000;
	(pc) =	sbr.rel @p0 .LBB2_1-.Ltmp0, $4  }
0x132: {  	[hbm4b:s8+s3] =	stream.linear.scatter [tilespmem:s7], [sflag:$0x3], $0xC000, $0x38;
	[tilespmem:$0x18180] =	vst v63  }
0x133: {  	_ =	swait.ge [sflag:s5], $0xC000  }
0x134: {  	[sflag:s5] =	ssyncset.done $0x0  }
0x135: {  	s4 =	sadd.s32 $0xFFFFFFFF, s4;
	[sflag:s5] =	ssyncadd.s32 $0xFFFF4000  }
0x136: {  	_ =	sfence.sel $0x180000  }
0x137: {  	[bflag:$0x0] =	sbarrier.arrive $0xFFFF  }
0x138: {  	_ =	strace $0x9000004D  }
0x139: {  	s0 =	stileid.u32;
	[bflag:$0x2] =	sbarrier.arrive $0xFFFF  }
0x13a: {  	p0 =	sne.s32 s0, $0x0;
	s0 =	rddreg [dreg:$0x3]  }
0x13b: {  	s0 =	sadd.s32 @!p0 $0x100000, s0  }
0x13c: {  	[sflag:s0] =	ssyncadd.tile.s32 @!p0 $0x1;
	_ =	shalt  }
.Lfunc_end2:
_tile_overlayer_lowered:
.L_overlay_start_2:
0x13d: {  	(tag) =	ssettag $0x2  }
0x13e: {  	s0 =	rddreg [dreg:$0x0];
	s2 =	stileid.u32  }
0x13f: {  	s1 =	rddreg [dreg:$0x1];
	p0 =	sne.s32 s2, $0x0  }
0x140: {  	s3 =	rddreg [dreg:$0x2];
	[bflag:$0x3] =	sbarrier.arrive $0xFFFF;
	s2 =	simm.s32 @!p0 $0x1C03  }
0x141: {  	[timem:s3], [sflag:s2] =	dma.local @!p0 [hbm:s0], s1  }
0x142: {  	s0 =	simm.s32 @!p0 $0x3  }
0x143: {  	_ =	swait.ge @!p0 [sflag:s0], s1  }
0x144: {  	s1 =	ssub.s32 @!p0 $0x0, s1;
	[sflag:s0] =	ssyncset.done @!p0 $0x0  }
0x145: {  	[sflag:s0] =	ssyncadd.s32 @!p0 s1  }
0x146: {  	[bflag:$0x3] =	sbarrier.arrive $0xFFFF  }
0x147: {  	_ =	shalt  }

// kernel: kernel.8.cloned.1.call-start
scs
__scs_entry_jumppad:
0x0: {  	(pc) =	sbr.rel $0x88, $3  }
0x1: {  	(tag) =	ssettag $0x0;
	lr =	simm.s32 $0x1  }
0x2: {  	[smem:$0x3F9F] =	sst lr;
	_ =	strace $0xD0000000  }
0x3: {  	_ = 	snop  }
0x4: {  	_ = 	snop  }
0x5: {  	_ = 	snop  }
0x6: {  	_ = 	snop  }
0x7: {  	_ = 	snop  }
__scs_overlays_trampoline_lowered:
0x8: {  	[smem:$0x3FAE] =	sst s0  }
0x9: {  	[smem:$0x3FAF] =	sst s1  }
0xa: {  	[smem:$0x3FB0] =	sst s2  }
0xb: {  	[smem:$0x3FB1] =	sst s3  }
0xc: {  	[smem:$0x3FB2] =	sst s4  }
0xd: {  	[smem:$0x3FB3] =	sst s5  }
0xe: {  	[smem:$0x3FB4] =	sst s6  }
0xf: {  	[smem:$0x3FB5] =	sst s7  }
0x10: {  	[smem:$0x3FB6] =	sst s8  }
0x11: {  	[smem:$0x3FB7] =	sst s9;
	s0 =	simm.s32 @!p0 $0x0  }
0x12: {  	s1 =	sld [smem:$0x3F9D];
	s0 =	simm.s32 @p0 $0x1  }
0x13: {  	[smem:$0x3FB8] =	sst s0;
	s0 =	simm.s32 @!p1 $0x0  }
0x14: {  	s2 =	sld [smem:$0x3F9C];
	s0 =	simm.s32 @p1 $0x1  }
0x15: {  	[smem:$0x3FB9] =	sst s0;
	s0 =	simm.s32 @!p2 $0x0  }
0x16: {  	s3 =	sld [smem:$0x3FDB];
	s0 =	simm.s32 @p2 $0x1  }
0x17: {  	s4 =	simm.s32 $0x1BF5;
	[smem:$0x3FBB] =	sst s0  }
0x18: {  	s0 =	sld [smem:$0x3F9E];
	_ =	swait.ge [sflag:s4], $0x0  }
0x19: {  	s7 =	sld [smem:$0x3F9F]  }
0x1a: {  	s8 =	sadd.s32 $0xFFFFE003, lr  }
0x1b: {  	s9 =	sadd.s32 $0xFFFFFEF7, lr;
	s5 =	simm.s32 $0xFFFFFFFF;
	p2 =	slt.u32 s8, $0xFFFFF086  }
0x1c: {  	p1 =	slt.u32 s9, $0xF7A;
	s5 =	simm.s32 @!p2 $0x0  }
0x1d: {  	s5 =	simm.s32 @p1 $0x1;
	p0 =	seq.s32 s7, s2  }
0x1e: {  	s7 =	smul.u32 @!p0 $0xF7A, s2;
	p2 =	seq.s32 @!p0 s5, $0x0  }
0x1f: {  	s9 =	smul.u32 $0xF7A, s1;
	s8 =	simm.s32 @!p0 $0x1BF5;
	p2 =	por !p2, p0  }
0x20: {  	[sflag:s8] =	ssyncset.s32 @!p0 $0xFFFFF086;
	s6 =	sadd.s32 @!p0 s3, s7;
	s7 =	simm.s32 @!p0 $0x108  }
0x21: {  	s3 =	sadd.s32 s3, s9;
	s6 =	sadd.s32 @!p0 $0x88, s6;
	s7 =	simm.s32 @p2 $0x1082  }
0x22: {  	[simem:s7], [sflag:s8] =	dma.local @!p0 [hbm:s6], $0xF7A  }
0x23: {  	s9 =	sor.u32 $0xD0000000, s2;
	s6 =	simm.s32 $0x108;
	_ =	swait.ge @!p0 [sflag:s8], $0x0  }
0x24: {  	s3 =	sadd.s32 $0x88, s3;
	s6 =	simm.s32 @!p1 $0x1082;
	[sflag:s4] =	ssyncset.s32 $0xFFFFF086  }
0x25: {  	[simem:s6], [sflag:s4] =	dma.local [hbm:s3], $0xF7A  }
0x26: {  	[smem:$0x3F9F] =	sst s1;
	(tag) =	ssettag s2;
	_ =	strace s9  }
0x27: {  	s1 =	sld [smem:$0x3FAF]  }
0x28: {  	s2 =	sld [smem:$0x3FB0]  }
0x29: {  	s4 =	sld [smem:$0x3FB2]  }
0x2a: {  	p0 =	seq.s32 s5, $0x0;
	s5 =	sld [smem:$0x3FB3]  }
0x2b: {  	s6 =	sld [smem:$0x3FB4]  }
0x2c: {  	s7 =	sld [smem:$0x3FB5]  }
0x2d: {  	s3 =	simm.s32 $0x108;
	s8 =	sld [smem:$0x3FB6]  }
0x2e: {  	s3 =	simm.s32 @!p0 $0x1082;
	s9 =	sld [smem:$0x3FB7]  }
0x2f: {  	lr =	sadd.s32 s0, s3;
	s0 =	sld [smem:$0x3FAE]  }
0x30: {  	s3 =	sld [smem:$0x3FB1]  }
0x31: {  	[smem:$0x3FBA] =	sst s10  }
0x32: {  	s10 =	sld [smem:$0x3FB8];
	_ =	sdelay $0x3  }
0x33: {  	p0 =	seq.s32 s10, $0x1;
	s10 =	sld [smem:$0x3FBA];
	_ =	sdelay $0x3  }
0x34: {  	[smem:$0x3FBA] =	sst s10  }
0x35: {  	s10 =	sld [smem:$0x3FB9];
	_ =	sdelay $0x3  }
0x36: {  	p1 =	seq.s32 s10, $0x1;
	s10 =	sld [smem:$0x3FBA];
	_ =	sdelay $0x3  }
0x37: {  	[smem:$0x3FBA] =	sst s10  }
0x38: {  	s10 =	sld [smem:$0x3FBB]  }
0x39: {  	_ = 	snop;
	(pc) =	sbr.ind lr, $3  }
0x3a: {  	_ = 	snop  }
0x3b: {  	_ = 	snop  }
0x3c: {  	p2 =	seq.s32 s10, $0x1;
	s10 =	sld [smem:$0x3FBA]  }
0x3d: {  	_ =	shalt  }
0x3e: {  	_ =	shalt  }
0x3f: {  	_ =	shalt  }
0x40: {  	_ =	shalt  }
0x41: {  	_ =	shalt  }
0x42: {  	_ =	shalt  }
0x43: {  	_ =	shalt  }
0x44: {  	_ =	shalt  }
0x45: {  	_ =	shalt  }
0x46: {  	_ =	shalt  }
0x47: {  	_ =	shalt  }
0x48: {  	_ =	shalt  }
0x49: {  	_ =	shalt  }
0x4a: {  	_ =	shalt  }
0x4b: {  	_ =	shalt  }
0x4c: {  	_ =	shalt  }
0x4d: {  	_ =	shalt  }
0x4e: {  	_ =	shalt  }
0x4f: {  	_ =	shalt  }
0x50: {  	_ =	shalt  }
0x51: {  	_ =	shalt  }
0x52: {  	_ =	shalt  }
0x53: {  	_ =	shalt  }
0x54: {  	_ =	shalt  }
0x55: {  	_ =	shalt  }
0x56: {  	_ =	shalt  }
0x57: {  	_ =	shalt  }
0x58: {  	_ =	shalt  }
0x59: {  	_ =	shalt  }
0x5a: {  	_ =	shalt  }
0x5b: {  	_ =	shalt  }
0x5c: {  	_ =	shalt  }
0x5d: {  	_ =	shalt  }
0x5e: {  	_ =	shalt  }
0x5f: {  	_ =	shalt  }
0x60: {  	_ =	shalt  }
0x61: {  	_ =	shalt  }
0x62: {  	_ =	shalt  }
0x63: {  	_ =	shalt  }
0x64: {  	_ =	shalt  }
0x65: {  	_ =	shalt  }
0x66: {  	_ =	shalt  }
0x67: {  	_ =	shalt  }
0x68: {  	_ =	shalt  }
0x69: {  	_ =	shalt  }
0x6a: {  	_ =	shalt  }
0x6b: {  	_ =	shalt  }
0x6c: {  	_ =	shalt  }
0x6d: {  	_ =	shalt  }
0x6e: {  	_ =	shalt  }
0x6f: {  	_ =	shalt  }
0x70: {  	_ =	shalt  }
0x71: {  	_ =	shalt  }
0x72: {  	_ =	shalt  }
0x73: {  	_ =	shalt  }
0x74: {  	_ =	shalt  }
0x75: {  	_ =	shalt  }
0x76: {  	_ =	shalt  }
0x77: {  	_ =	shalt  }
0x78: {  	_ =	shalt  }
0x79: {  	_ =	shalt  }
0x7a: {  	_ =	shalt  }
0x7b: {  	_ =	shalt  }
0x7c: {  	_ =	shalt  }
0x7d: {  	_ =	shalt  }
0x7e: {  	_ =	shalt  }
0x7f: {  	_ =	shalt  }
0x80: {  	_ =	shalt  }
0x81: {  	_ =	shalt  }
0x82: {  	_ =	shalt  }
0x83: {  	_ =	shalt  }
0x84: {  	_ =	shalt  }
0x85: {  	_ =	shalt  }
0x86: {  	_ =	shalt  }
0x87: {  	_ =	shalt  }
.Lfunc_end0:
.L_simem_size_0:
called_computation_lowered:
.L_overlay_start_0:
0x88: {  	s2 =	sld [smem:$0x3FD9]  }
0x89: {  	s3 =	sld [smem:$0x3FFE];
	_ =	sdelay $0x1  }
0x8a: {  	s1 =	srdreg.scid  }
0x8b: {  	s0 =	sand.u32 $0x1, s1  }
0x8c: {  	s14 =	sshll.u32 s0, $0xA;
	s2 =	sadd.s32 s3, s2  }
0x8d: {  	s2 =	sadd.s32 s2, s14  }
0x8e: {  	[smem:$0x3FC6] =	sst s2  }
0x8f: {  	_ = 	snop  }
0x90: {  	s2 =	sld [smem:$0x3FD0];
	_ =	sdelay $0x2  }
0x91: {  	s4 =	simm.s32 $0xA;
	s5 =	simm.s32 $0x10;
	s15 =	sld [smem:$0x3FC8]  }
0x92: {  	[smem:s5], [sflag:s4] =	dma.local [hbm:s2], $0x1  }
0x93: {  	_ =	swait.eq [sflag:s4], $0x1  }
0x94: {  	[sflag:s4] =	ssyncset.done $0x0  }
0x95: {  	[sflag:s4] =	ssyncadd.s32 $0xFFFFFFFF  }
0x96: {  	s16 =	sld [smem:$0x10];
	(tm) =	ssettm $0x1  }
0x97: {  	s17 =	sld [smem:$0x3FFB];
	_ =	sdelay $0x3  }
0x98: {  	_ =	strace s17  }
0x99: {  	s4 =	sld [smem:$0x3FFC];
	_ =	sdelay $0x3  }
0x9a: {  	_ =	strace s4  }
0x9b: {  	s4 =	sld [smem:$0x3FFD];
	_ =	sdelay $0x3  }
0x9c: {  	_ =	strace s4  }
0x9d: {  	_ =	strace $0x8FFFFFFF  }
0x9e: {  	s18 =	sld [smem:$0x3FDB];
	_ =	sdelay $0x1  }
0x9f: {  	s19 =	simm.s32 $_scs_section_size  }
0xa0: {  	s6 =	simm.s32 $_size__tile_overlayer_lowered;
	s7 =	simm.s32 $_tile_overlayer_lowered  }
0xa1: {  	s22 =	simm.s32 $0x1BFF;
	s21 =	sshll.u32 s7, $0x1;
	s4 =	sadd.s32 s19, s18  }
0xa2: {  	s8 =	simm.s32 $0x0;
	s20 =	sshll.u32 s6, $0x1;
	s6 =	sadd.s32 s21, s4  }
0xa3: {  	[timem:s8], [sflag:s22] =	dma.local [hbm:s6], s20  }
0xa4: {  	_ =	swait.ge [sflag:s22], s20  }
0xa5: {  	s5 =	ssub.s32 $0x0, s20;
	[sflag:s22] =	ssyncset.done $0x0  }
0xa6: {  	[sflag:s22] =	ssyncadd.s32 s5;
	_ =	sdelay $0x1  }
0xa7: {  	s23 =	simm.s32 $0x1B8B  }
0xa8: {  	_ =	swait.ge [sflag:s23], $0x1  }
0xa9: {  	[sflag:s23] =	ssyncset.done $0x0  }
0xaa: {  	s25 =	simm.s32 $0x1B8E;
	s24 =	sld [smem:$0x3FFE];
	[sflag:s23] =	ssyncadd.s32 $0xFFFFFFFF  }
0xab: {  	s26 =	simm.s32 $execute0_lowered;
	[smem:$0x3FD2] =	sst s25  }
0xac: {  	s6 =	sshll.u32 s26, $0x1;
	_ =	strace $0x80000046;
	[dreg:$0x1] =	wrdreg $0xFFFFFFFF  }
0xad: {  	s28 =	simm.s32 $_size_execute0_lowered;
	s4 =	sadd.s32 s4, s6;
	[dreg:$0x0] =	wrdreg $0x0  }
0xae: {  	s6 =	sshll.u32 s28, $0x1;
	[dreg:$0x2] =	wrdreg s4  }
0xaf: {  	[dreg:$0x3] =	wrdreg s6  }
0xb0: {  	[dreg:$0x4] =	wrdreg $0xC0  }
0xb1: {  	_ =	task [dreg:s8], $0x5FFFF  }
0xb2: {  	[dreg:$0x1] =	wrdreg $0xFFFFFFFF  }
0xb3: {  	[dreg:$0x0] =	wrdreg $0x60  }
0xb4: {  	[dreg:$0x2] =	wrdreg s24  }
0xb5: {  	[dreg:$0x3] =	wrdreg s15  }
0xb6: {  	[dreg:$0x4] =	wrdreg s16  }
0xb7: {  	[dreg:$0x5] =	wrdreg $0x9  }
0xb8: {  	_ =	task.clear_ibuf [dreg:s8], $0x6FFFF;
	_ =	strace $0x90000046  }
0xb9: {  	s29 =	simm.s32 $0x9;
	_ =	strace $0x80000048  }
0xba: {  	_ =	swait.ge [sflag:s29], $0x1  }
0xbb: {  	[sflag:s29] =	ssyncadd.s32 $0xFFFFFFFF  }
0xbc: {  	_ =	strace $0x90000048  }
0xbd: {  	_ =	sfence  }
0xbe: {  	s30 =	sld [smem:$0x0];
	_ =	sdelay $0x2  }
0xbf: {  	s31 =	sshll.u32 s1, $0xD;
	s1 =	sshrl.u32 s1, $0x2  }
0xc0: {  	s3 =	sand.u32 $0x4000, s31;
	s1 =	sadd.s32 s1, s30  }
0xc1: {  	s0 =	sor.u32 s3, s0;
	s1 =	sshll.u32 s1, $0x11  }
0xc2: {  	s0 =	sor.u32 s1, s0  }
0xc3: {  	s0 =	sadd.s32 $0x8F2B, s0  }
0xc4: {  	[sflag:s0] =	ssyncadd.remote.s32 $0x1  }
0xc5: {  	_ =	sfence.sel $0xFFFF  }
0xc6: {  	[dreg:$0x0] =	wrdreg $0xFFFFFFFF;
	(pc) =	sbr.abs _section_cstart, $3  }
0xc7: {  	[dreg:$0x1] =	wrdreg $0xFFFFFFFF  }
0xc8: {  	_ =	task.clear_ibuf [dreg:s8], $0x2FFFF;
	_ =	strace $0x9FFFFFFF  }
0xc9: {  	(tm) =	ssettm $0x7FFFFFFF  }
tec
execute0_lowered:
.L_overlay_start_1:
0x0: {  	(tag) =	ssettag $0x1  }
0x1: {  	s1 =	srdreg.scid  }
0x2: {  	s0 =	stileid.u32;
	s4 =	rddreg [dreg:$0x0]  }
0x3: {  	s2 =	rddreg [dreg:$0x1];
	s1 =	sand.u32 $0x1, s1;
	s3 =	sshll.u32 s0, $0x1  }
0x4: {  	s6 =	rddreg [dreg:$0x2];
	s5 =	sor.u32 s1, s3;
	s3 =	simm.s32 $0x0  }
0x5: {  	s25 =	simm.s32 $0x980;
	[smem:$0x7FF] =	sst s3  }
0x6: {  	s26 =	simm.s32 $0x1180;
	_ =	strace $0x80000047;
	[dreg:$0x7] =	wrdreg s25  }
0x7: {  	s0 =	simm.s32 $0x1980;
	[dreg:$0x8] =	wrdreg s26  }
0x8: {  	s9 =	simm.s32 $0x4180;
	[dreg:$0x9] =	wrdreg s0  }
0x9: {  	s10 =	simm.s32 $0x4980;
	[dreg:$0xe] =	wrdreg s9  }
0xa: {  	s11 =	simm.s32 $0x5180;
	[dreg:$0xf] =	wrdreg s10  }
0xb: {  	s12 =	simm.s32 $0x5980;
	[dreg:$0x10] =	wrdreg s11  }
0xc: {  	s13 =	simm.s32 $0x6180;
	[dreg:$0x11] =	wrdreg s12  }
0xd: {  	s14 =	simm.s32 $0x6980;
	s15 =	simm.s32 $0x7180;
	[dreg:$0x12] =	wrdreg s13  }
0xe: {  	s16 =	simm.s32 $0x7980;
	s17 =	simm.s32 $0x8180;
	[dreg:$0x13] =	wrdreg s14  }
0xf: {  	s18 =	simm.s32 $0x8980;
	s19 =	simm.s32 $0x9180;
	[dreg:$0x14] =	wrdreg s15  }
0x10: {  	s20 =	simm.s32 $0x9980;
	s28 =	simm.s32 $0x16980;
	[dreg:$0x15] =	wrdreg s16  }
0x11: {  	s29 =	simm.s32 $0x17180;
	s30 =	simm.s32 $0x17980;
	[dreg:$0x16] =	wrdreg s17  }
0x12: {  	s31 =	simm.s32 $0x1;
	s7 =	smul.u32 $0x30, s5;
	[dreg:$0x17] =	wrdreg s18  }
0x13: {  	s1 =	ssub.s32 $0x2, s1;
	s8 =	smul.u32 $0x18000, s5;
	[dreg:$0x18] =	wrdreg s19  }
0x14: {  	s5 =	smul.u32 $0x3000, s5;
	[dreg:$0x19] =	wrdreg s20;
	s25 =	simm.s32 $0xB980  }
0x15: {  	s26 =	simm.s32 $0xC980;
	s9 =	simm.s32 $0xD980;
	s10 =	simm.s32 $0xE180  }
0x16: {  	s11 =	simm.s32 $0xE980;
	s12 =	simm.s32 $0xF180;
	s13 =	simm.s32 $0xF980  }
0x17: {  	s14 =	simm.s32 $0x10180;
	s15 =	simm.s32 $0x10980;
	s16 =	simm.s32 $0x11180  }
0x18: {  	s17 =	simm.s32 $0x11980;
	s18 =	simm.s32 $0x12180;
	s19 =	simm.s32 $0x12980  }
0x19: {  	s20 =	simm.s32 $0x13180;
	s4 =	sadd.s32 s7, s4;
	[dreg:$0x1d] =	wrdreg s25  }
0x1a: {  	s21 =	sshrl.u32 s8, $0x3;
	s22 =	sadd.s32 s6, s5;
	[dreg:$0x1e] =	wrdreg s26  }
0x1b: {  	s5 =	simm.s32 $0x2180;
	s7 =	simm.s32 $0x3180;
	[dreg:$0x5] =	wrdreg s22  }
0x1c: {  	s8 =	simm.s32 $0x3980;
	s25 =	simm.s32 $0x15980;
	[dreg:$0xa] =	wrdreg s5  }
0x1d: {  	s26 =	simm.s32 $0x16180;
	s4 =	sadd.s32 $0xC3400, s4;
	[dreg:$0xc] =	wrdreg s7  }
0x1e: {  	s23 =	sadd.s32 s6, s21;
	s6 =	simm.s32 $0x2980;
	[dreg:$0xd] =	wrdreg s8  }
0x1f: {  	s21 =	simm.s32 $0xA180;
	s22 =	sshrl.u32 s1, $0x1;
	[dreg:$0x4] =	wrdreg s4  }
0x20: {  	s5 =	simm.s32 $0x3;
	s7 =	simm.s32 $0xC180;
	[dreg:$0xb] =	wrdreg s6  }
0x21: {  	s24 =	sadd.s32 $0x1800, s23;
	[dreg:$0x1a] =	wrdreg s21;
	s23 =	simm.s32 $0xA980  }
0x22: {  	s1 =	ssub.s32 s1, s22;
	s6 =	simm.s32 $0x180;
	[dreg:$0x6] =	wrdreg s24  }
0x23: {  	v2 =	vlaneseq.u32;
	s21 =	simm.s32 $0x13980;
	s22 =	simm.s32 $0x14180;
	[dreg:$0x1b] =	wrdreg s23  }
0x24: {  	vm0 =	vmmov $0xffff;
	v1 =	vshrl.u32 v2, $0x3;
	s24 =	simm.s32 $0xB180;
	s4 =	smax.u32 s1, $0x1;
	s23 =	simm.s32 $0x14980  }
0x25: {  	v0 =	vand.u32 $0x7, v2;
	v2 =	vor.u32 $0x8, v2;
	v1 =	vmul.u32 $0x8, v1;
	s1 =	simm.s32 $0x2;
	[dreg:$0x1c] =	wrdreg s24;
	s24 =	simm.s32 $0x15180  }
.LBB2_1:
0x26: {  	s0 =	rddreg [dreg:$0x4]  }
0x27: {  	[tilespmem:s3], [sflag:$0x3] =	stream.linear.gather [hbm4b:s0+s3], $0x180, $0x38;
	[tilespmem:$0x18180] =	vst v63  }
0x28: {  	_ =	swait.ge [sflag:s5], $0x180  }
0x29: {  	[sflag:s5] =	ssyncset.done $0x0  }
0x2a: {  	[sflag:s5] =	ssyncadd.s32 $0xFFFFFE80  }
0x2b: {  	v3 =	vld [tilespmem:$0x0];
	_ =	sdelay $0x4  }
0x2c: {  	v4 =	vshll.u32 v3, $0x1  }
0x2d: {  	v3 =	vand.u32 $0x7, v3;
	v4 =	vand.u32 $0xFFFFFFF0, v4  }
0x2e: {  	v3 =	vor.u32 v3, v4  }
0x2f: {  	v4 =	vperm.xlane v3, v0;
	_ =	sdelay $0x1  }
0x30: {  	v3 =	vperm.xlane v3, v2;
	v4 =	vadd.s32 v1, v4;
	_ =	sdelay $0x1  }
0x31: {  	v3 =	vadd.s32 v1, v3;
	_ =	sdelay $0x2  }
0x32: {  	[tilespmem:s6], [sflag:$0x1] =	stream.indirect_vreg.gather [hbm4b:s2+s3], $0x80, v4, vm0, $0xb8;
	[tilespmem:$0x18180] =	vst v63  }
0x33: {  	s8 =	rddreg [dreg:$0x7]  }
0x34: {  	[tilespmem:s8], [sflag:$0x1] =	stream.indirect_vreg.gather [hbm4b:s2+s3], $0x80, v3, vm0, $0xb8;
	[tilespmem:$0x18180] =	vst v63  }
0x35: {  	v3 =	vld [tilespmem:$0x10];
	_ =	sdelay $0x4  }
0x36: {  	v41 =	vshll.u32 v3, $0x1  }
0x37: {  	v3 =	vand.u32 $0x7, v3;
	v4 =	vand.u32 $0xFFFFFFF0, v41  }
0x38: {  	v3 =	vor.u32 v3, v4  }
0x39: {  	v4 =	vperm.xlane v3, v0;
	_ =	sdelay $0x1  }
0x3a: {  	v3 =	vperm.xlane v3, v2;
	v4 =	vadd.s32 v1, v4;
	_ =	sdelay $0x1  }
0x3b: {  	v3 =	vadd.s32 v1, v3;
	_ =	sdelay $0x1  }
0x3c: {  	s0 =	rddreg [dreg:$0x8]  }
0x3d: {  	[tilespmem:s0], [sflag:$0x1] =	stream.indirect_vreg.gather [hbm4b:s2+s3], $0x80, v4, vm0, $0xb8;
	[tilespmem:$0x18180] =	vst v63  }
0x3e: {  	s8 =	rddreg [dreg:$0x9]  }
0x3f: {  	[tilespmem:s8], [sflag:$0x1] =	stream.indirect_vreg.gather [hbm4b:s2+s3], $0x80, v3, vm0, $0xb8;
	[tilespmem:$0x18180] =	vst v63  }
0x40: {  	v3 =	vld [tilespmem:$0x20];
	_ =	sdelay $0x4  }
0x41: {  	v42 =	vshll.u32 v3, $0x1  }
0x42: {  	v3 =	vand.u32 $0x7, v3;
	v4 =	vand.u32 $0xFFFFFFF0, v42  }
0x43: {  	v3 =	vor.u32 v3, v4  }
0x44: {  	v4 =	vperm.xlane v3, v0;
	_ =	sdelay $0x1  }
0x45: {  	v3 =	vperm.xlane v3, v2;
	v4 =	vadd.s32 v1, v4;
	_ =	sdelay $0x1  }
0x46: {  	v3 =	vadd.s32 v1, v3;
	_ =	sdelay $0x1  }
0x47: {  	s0 =	rddreg [dreg:$0xa]  }
0x48: {  	[tilespmem:s0], [sflag:$0x1] =	stream.indirect_vreg.gather [hbm4b:s2+s3], $0x80, v4, vm0, $0xb8;
	[tilespmem:$0x18180] =	vst v63  }
0x49: {  	s8 =	rddreg [dreg:$0xb]  }
0x4a: {  	[tilespmem:s8], [sflag:$0x1] =	stream.indirect_vreg.gather [hbm4b:s2+s3], $0x80, v3, vm0, $0xb8;
	[tilespmem:$0x18180] =	vst v63  }
0x4b: {  	v3 =	vld [tilespmem:$0x30];
	_ =	sdelay $0x4  }
0x4c: {  	v43 =	vshll.u32 v3, $0x1  }
0x4d: {  	v3 =	vand.u32 $0x7, v3;
	v4 =	vand.u32 $0xFFFFFFF0, v43  }
0x4e: {  	v3 =	vor.u32 v3, v4  }
0x4f: {  	v4 =	vperm.xlane v3, v0;
	_ =	sdelay $0x1  }
0x50: {  	v3 =	vperm.xlane v3, v2;
	v4 =	vadd.s32 v1, v4;
	_ =	sdelay $0x1  }
0x51: {  	v3 =	vadd.s32 v1, v3;
	_ =	sdelay $0x1  }
0x52: {  	s0 =	rddreg [dreg:$0xc]  }
0x53: {  	[tilespmem:s0], [sflag:$0x1] =	stream.indirect_vreg.gather [hbm4b:s2+s3], $0x80, v4, vm0, $0xb8;
	[tilespmem:$0x18180] =	vst v63  }
0x54: {  	s8 =	rddreg [dreg:$0xd]  }
0x55: {  	[tilespmem:s8], [sflag:$0x1] =	stream.indirect_vreg.gather [hbm4b:s2+s3], $0x80, v3, vm0, $0xb8;
	[tilespmem:$0x18180] =	vst v63  }
0x56: {  	v3 =	vld [tilespmem:$0x40];
	_ =	sdelay $0x4  }
0x57: {  	v44 =	vshll.u32 v3, $0x1  }
0x58: {  	v3 =	vand.u32 $0x7, v3;
	v4 =	vand.u32 $0xFFFFFFF0, v44  }
0x59: {  	v3 =	vor.u32 v3, v4  }
0x5a: {  	v4 =	vperm.xlane v3, v0;
	_ =	sdelay $0x1  }
0x5b: {  	v3 =	vperm.xlane v3, v2;
	v4 =	vadd.s32 v1, v4;
	_ =	sdelay $0x1  }
0x5c: {  	v3 =	vadd.s32 v1, v3;
	_ =	sdelay $0x1  }
0x5d: {  	s0 =	rddreg [dreg:$0xe]  }
0x5e: {  	[tilespmem:s0], [sflag:$0x1] =	stream.indirect_vreg.gather [hbm4b:s2+s3], $0x80, v4, vm0, $0xb8;
	[tilespmem:$0x18180] =	vst v63  }
0x5f: {  	s8 =	rddreg [dreg:$0xf]  }
0x60: {  	[tilespmem:s8], [sflag:$0x1] =	stream.indirect_vreg.gather [hbm4b:s2+s3], $0x80, v3, vm0, $0xb8;
	[tilespmem:$0x18180] =	vst v63  }
0x61: {  	v3 =	vld [tilespmem:$0x50];
	_ =	sdelay $0x4  }
0x62: {  	v45 =	vshll.u32 v3, $0x1  }
0x63: {  	v3 =	vand.u32 $0x7, v3;
	v4 =	vand.u32 $0xFFFFFFF0, v45  }
0x64: {  	v3 =	vor.u32 v3, v4  }
0x65: {  	v4 =	vperm.xlane v3, v0;
	_ =	sdelay $0x1  }
0x66: {  	v3 =	vperm.xlane v3, v2;
	v4 =	vadd.s32 v1, v4;
	_ =	sdelay $0x1  }
0x67: {  	v3 =	vadd.s32 v1, v3;
	_ =	sdelay $0x1  }
0x68: {  	s0 =	rddreg [dreg:$0x10]  }
0x69: {  	[tilespmem:s0], [sflag:$0x1] =	stream.indirect_vreg.gather [hbm4b:s2+s3], $0x80, v4, vm0, $0xb8;
	[tilespmem:$0x18180] =	vst v63  }
0x6a: {  	s8 =	rddreg [dreg:$0x11]  }
0x6b: {  	[tilespmem:s8], [sflag:$0x1] =	stream.indirect_vreg.gather [hbm4b:s2+s3], $0x80, v3, vm0, $0xb8;
	[tilespmem:$0x18180] =	vst v63  }
0x6c: {  	v3 =	vld [tilespmem:$0x60];
	_ =	sdelay $0x4  }
0x6d: {  	v46 =	vshll.u32 v3, $0x1  }
0x6e: {  	v3 =	vand.u32 $0x7, v3;
	v4 =	vand.u32 $0xFFFFFFF0, v46  }
0x6f: {  	v3 =	vor.u32 v3, v4  }
0x70: {  	v4 =	vperm.xlane v3, v0;
	_ =	sdelay $0x1  }
0x71: {  	v3 =	vperm.xlane v3, v2;
	v4 =	vadd.s32 v1, v4;
	_ =	sdelay $0x1  }
0x72: {  	v3 =	vadd.s32 v1, v3;
	_ =	sdelay $0x1  }
0x73: {  	s0 =	rddreg [dreg:$0x12]  }
0x74: {  	[tilespmem:s0], [sflag:$0x1] =	stream.indirect_vreg.gather [hbm4b:s2+s3], $0x80, v4, vm0, $0xb8;
	[tilespmem:$0x18180] =	vst v63  }
0x75: {  	s8 =	rddreg [dreg:$0x13]  }
0x76: {  	[tilespmem:s8], [sflag:$0x1] =	stream.indirect_vreg.gather [hbm4b:s2+s3], $0x80, v3, vm0, $0xb8;
	[tilespmem:$0x18180] =	vst v63  }
0x77: {  	v3 =	vld [tilespmem:$0x70];
	_ =	sdelay $0x4  }
0x78: {  	v47 =	vshll.u32 v3, $0x1  }
0x79: {  	v3 =	vand.u32 $0x7, v3;
	v4 =	vand.u32 $0xFFFFFFF0, v47  }
0x7a: {  	v3 =	vor.u32 v3, v4  }
0x7b: {  	v4 =	vperm.xlane v3, v0;
	_ =	sdelay $0x1  }
0x7c: {  	v3 =	vperm.xlane v3, v2;
	v4 =	vadd.s32 v1, v4;
	_ =	sdelay $0x1  }
0x7d: {  	v3 =	vadd.s32 v1, v3;
	_ =	sdelay $0x1  }
0x7e: {  	s0 =	rddreg [dreg:$0x14]  }
0x7f: {  	[tilespmem:s0], [sflag:$0x1] =	stream.indirect_vreg.gather [hbm4b:s2+s3], $0x80, v4, vm0, $0xb8;
	[tilespmem:$0x18180] =	vst v63  }
0x80: {  	s8 =	rddreg [dreg:$0x15]  }
0x81: {  	[tilespmem:s8], [sflag:$0x1] =	stream.indirect_vreg.gather [hbm4b:s2+s3], $0x80, v3, vm0, $0xb8;
	[tilespmem:$0x18180] =	vst v63  }
0x82: {  	v3 =	vld [tilespmem:$0x80];
	_ =	sdelay $0x4  }
0x83: {  	v48 =	vshll.u32 v3, $0x1  }
0x84: {  	v3 =	vand.u32 $0x7, v3;
	v4 =	vand.u32 $0xFFFFFFF0, v48  }
0x85: {  	v3 =	vor.u32 v3, v4  }
0x86: {  	v4 =	vperm.xlane v3, v0;
	_ =	sdelay $0x1  }
0x87: {  	v3 =	vperm.xlane v3, v2;
	v4 =	vadd.s32 v1, v4;
	_ =	sdelay $0x1  }
0x88: {  	v3 =	vadd.s32 v1, v3;
	_ =	sdelay $0x1  }
0x89: {  	s0 =	rddreg [dreg:$0x16]  }
0x8a: {  	[tilespmem:s0], [sflag:$0x1] =	stream.indirect_vreg.gather [hbm4b:s2+s3], $0x80, v4, vm0, $0xb8;
	[tilespmem:$0x18180] =	vst v63  }
0x8b: {  	s8 =	rddreg [dreg:$0x17]  }
0x8c: {  	[tilespmem:s8], [sflag:$0x1] =	stream.indirect_vreg.gather [hbm4b:s2+s3], $0x80, v3, vm0, $0xb8;
	[tilespmem:$0x18180] =	vst v63  }
0x8d: {  	v3 =	vld [tilespmem:$0x90];
	_ =	sdelay $0x4  }
0x8e: {  	v49 =	vshll.u32 v3, $0x1  }
0x8f: {  	v3 =	vand.u32 $0x7, v3;
	v4 =	vand.u32 $0xFFFFFFF0, v49  }
0x90: {  	v3 =	vor.u32 v3, v4  }
0x91: {  	v4 =	vperm.xlane v3, v0;
	_ =	sdelay $0x1  }
0x92: {  	v3 =	vperm.xlane v3, v2;
	v4 =	vadd.s32 v1, v4;
	_ =	sdelay $0x1  }
0x93: {  	v3 =	vadd.s32 v1, v3;
	_ =	sdelay $0x1  }
0x94: {  	s0 =	rddreg [dreg:$0x18]  }
0x95: {  	[tilespmem:s0], [sflag:$0x1] =	stream.indirect_vreg.gather [hbm4b:s2+s3], $0x80, v4, vm0, $0xb8;
	[tilespmem:$0x18180] =	vst v63  }
0x96: {  	s8 =	rddreg [dreg:$0x19]  }
0x97: {  	[tilespmem:s8], [sflag:$0x1] =	stream.indirect_vreg.gather [hbm4b:s2+s3], $0x80, v3, vm0, $0xb8;
	[tilespmem:$0x18180] =	vst v63  }
0x98: {  	v3 =	vld [tilespmem:$0xA0];
	_ =	sdelay $0x4  }
0x99: {  	v50 =	vshll.u32 v3, $0x1  }
0x9a: {  	v3 =	vand.u32 $0x7, v3;
	v4 =	vand.u32 $0xFFFFFFF0, v50  }
0x9b: {  	v3 =	vor.u32 v3, v4  }
0x9c: {  	v4 =	vperm.xlane v3, v0;
	_ =	sdelay $0x1  }
0x9d: {  	v3 =	vperm.xlane v3, v2;
	v4 =	vadd.s32 v1, v4;
	_ =	sdelay $0x1  }
0x9e: {  	v3 =	vadd.s32 v1, v3;
	_ =	sdelay $0x1  }
0x9f: {  	s0 =	rddreg [dreg:$0x1a]  }
0xa0: {  	[tilespmem:s0], [sflag:$0x1] =	stream.indirect_vreg.gather [hbm4b:s2+s3], $0x80, v4, vm0, $0xb8;
	[tilespmem:$0x18180] =	vst v63  }
0xa1: {  	s8 =	rddreg [dreg:$0x1b]  }
0xa2: {  	[tilespmem:s8], [sflag:$0x1] =	stream.indirect_vreg.gather [hbm4b:s2+s3], $0x80, v3, vm0, $0xb8;
	[tilespmem:$0x18180] =	vst v63  }
0xa3: {  	v3 =	vld [tilespmem:$0xB0];
	_ =	sdelay $0x4  }
0xa4: {  	v51 =	vshll.u32 v3, $0x1  }
0xa5: {  	v3 =	vand.u32 $0x7, v3;
	v4 =	vand.u32 $0xFFFFFFF0, v51  }
0xa6: {  	v3 =	vor.u32 v3, v4  }
0xa7: {  	v4 =	vperm.xlane v3, v0;
	_ =	sdelay $0x1  }
0xa8: {  	v3 =	vperm.xlane v3, v2;
	v4 =	vadd.s32 v1, v4;
	_ =	sdelay $0x1  }
0xa9: {  	v3 =	vadd.s32 v1, v3;
	_ =	sdelay $0x1  }
0xaa: {  	s0 =	rddreg [dreg:$0x1c]  }
0xab: {  	[tilespmem:s0], [sflag:$0x1] =	stream.indirect_vreg.gather [hbm4b:s2+s3], $0x80, v4, vm0, $0xb8;
	[tilespmem:$0x18180] =	vst v63  }
0xac: {  	s8 =	rddreg [dreg:$0x1d]  }
0xad: {  	[tilespmem:s8], [sflag:$0x1] =	stream.indirect_vreg.gather [hbm4b:s2+s3], $0x80, v3, vm0, $0xb8;
	[tilespmem:$0x18180] =	vst v63  }
0xae: {  	v3 =	vld [tilespmem:$0xC0];
	_ =	sdelay $0x4  }
0xaf: {  	v52 =	vshll.u32 v3, $0x1  }
0xb0: {  	v3 =	vand.u32 $0x7, v3;
	v4 =	vand.u32 $0xFFFFFFF0, v52  }
0xb1: {  	v3 =	vor.u32 v3, v4  }
0xb2: {  	v4 =	vperm.xlane v3, v0;
	_ =	sdelay $0x1  }
0xb3: {  	v3 =	vperm.xlane v3, v2;
	v4 =	vadd.s32 v1, v4;
	_ =	sdelay $0x1  }
0xb4: {  	v3 =	vadd.s32 v1, v3;
	_ =	sdelay $0x2  }
0xb5: {  	[tilespmem:s7], [sflag:$0x2] =	stream.indirect_vreg.gather [hbm4b:s2+s3], $0x80, v4, vm0, $0xb8;
	[tilespmem:$0x18180] =	vst v63  }
0xb6: {  	s8 =	rddreg [dreg:$0x1e]  }
0xb7: {  	[tilespmem:s8], [sflag:$0x2] =	stream.indirect_vreg.gather [hbm4b:s2+s3], $0x80, v3, vm0, $0xb8;
	[tilespmem:$0x18180] =	vst v63  }
0xb8: {  	v3 =	vld [tilespmem:$0xD0];
	_ =	sdelay $0x4  }
0xb9: {  	v53 =	vshll.u32 v3, $0x1  }
0xba: {  	v3 =	vand.u32 $0x7, v3;
	v4 =	vand.u32 $0xFFFFFFF0, v53  }
0xbb: {  	v3 =	vor.u32 v3, v4  }
0xbc: {  	v4 =	vperm.xlane v3, v0;
	_ =	sdelay $0x1  }
0xbd: {  	v3 =	vperm.xlane v3, v2;
	v4 =	vadd.s32 v1, v4;
	_ =	sdelay $0x1  }
0xbe: {  	v3 =	vadd.s32 v1, v3;
	_ =	sdelay $0x1  }
0xbf: {  	s8 =	simm.s32 $0xD180  }
0xc0: {  	[tilespmem:s8], [sflag:$0x2] =	stream.indirect_vreg.gather [hbm4b:s2+s3], $0x80, v4, vm0, $0xb8;
	[tilespmem:$0x18180] =	vst v63  }
0xc1: {  	_ = 	snop  }
0xc2: {  	[tilespmem:s9], [sflag:$0x2] =	stream.indirect_vreg.gather [hbm4b:s2+s3], $0x80, v3, vm0, $0xb8;
	[tilespmem:$0x18180] =	vst v63  }
0xc3: {  	v3 =	vld [tilespmem:$0xE0];
	_ =	sdelay $0x4  }
0xc4: {  	v54 =	vshll.u32 v3, $0x1  }
0xc5: {  	v3 =	vand.u32 $0x7, v3;
	v4 =	vand.u32 $0xFFFFFFF0, v54  }
0xc6: {  	v3 =	vor.u32 v3, v4  }
0xc7: {  	v4 =	vperm.xlane v3, v0;
	_ =	sdelay $0x1  }
0xc8: {  	v3 =	vperm.xlane v3, v2;
	v4 =	vadd.s32 v1, v4;
	_ =	sdelay $0x1  }
0xc9: {  	v3 =	vadd.s32 v1, v3;
	_ =	sdelay $0x2  }
0xca: {  	[tilespmem:s10], [sflag:$0x2] =	stream.indirect_vreg.gather [hbm4b:s2+s3], $0x80, v4, vm0, $0xb8;
	[tilespmem:$0x18180] =	vst v63  }
0xcb: {  	_ = 	snop  }
0xcc: {  	[tilespmem:s11], [sflag:$0x2] =	stream.indirect_vreg.gather [hbm4b:s2+s3], $0x80, v3, vm0, $0xb8;
	[tilespmem:$0x18180] =	vst v63  }
0xcd: {  	v3 =	vld [tilespmem:$0xF0];
	_ =	sdelay $0x4  }
0xce: {  	v55 =	vshll.u32 v3, $0x1  }
0xcf: {  	v3 =	vand.u32 $0x7, v3;
	v4 =	vand.u32 $0xFFFFFFF0, v55  }
0xd0: {  	v3 =	vor.u32 v3, v4  }
0xd1: {  	v4 =	vperm.xlane v3, v0;
	_ =	sdelay $0x1  }
0xd2: {  	v3 =	vperm.xlane v3, v2;
	v4 =	vadd.s32 v1, v4;
	_ =	sdelay $0x1  }
0xd3: {  	v3 =	vadd.s32 v1, v3;
	_ =	sdelay $0x2  }
0xd4: {  	[tilespmem:s12], [sflag:$0x2] =	stream.indirect_vreg.gather [hbm4b:s2+s3], $0x80, v4, vm0, $0xb8;
	[tilespmem:$0x18180] =	vst v63  }
0xd5: {  	_ = 	snop  }
0xd6: {  	[tilespmem:s13], [sflag:$0x2] =	stream.indirect_vreg.gather [hbm4b:s2+s3], $0x80, v3, vm0, $0xb8;
	[tilespmem:$0x18180] =	vst v63  }
0xd7: {  	v3 =	vld [tilespmem:$0x100];
	_ =	sdelay $0x4  }
0xd8: {  	v56 =	vshll.u32 v3, $0x1  }
0xd9: {  	v3 =	vand.u32 $0x7, v3;
	v4 =	vand.u32 $0xFFFFFFF0, v56  }
0xda: {  	v3 =	vor.u32 v3, v4  }
0xdb: {  	v4 =	vperm.xlane v3, v0;
	_ =	sdelay $0x1  }
0xdc: {  	v3 =	vperm.xlane v3, v2;
	v4 =	vadd.s32 v1, v4;
	_ =	sdelay $0x1  }
0xdd: {  	v3 =	vadd.s32 v1, v3;
	_ =	sdelay $0x2  }
0xde: {  	[tilespmem:s14], [sflag:$0x2] =	stream.indirect_vreg.gather [hbm4b:s2+s3], $0x80, v4, vm0, $0xb8;
	[tilespmem:$0x18180] =	vst v63  }
0xdf: {  	_ = 	snop  }
0xe0: {  	[tilespmem:s15], [sflag:$0x2] =	stream.indirect_vreg.gather [hbm4b:s2+s3], $0x80, v3, vm0, $0xb8;
	[tilespmem:$0x18180] =	vst v63  }
0xe1: {  	v3 =	vld [tilespmem:$0x110];
	_ =	sdelay $0x4  }
0xe2: {  	v57 =	vshll.u32 v3, $0x1  }
0xe3: {  	v3 =	vand.u32 $0x7, v3;
	v4 =	vand.u32 $0xFFFFFFF0, v57  }
0xe4: {  	v3 =	vor.u32 v3, v4  }
0xe5: {  	v4 =	vperm.xlane v3, v0;
	_ =	sdelay $0x1  }
0xe6: {  	v3 =	vperm.xlane v3, v2;
	v4 =	vadd.s32 v1, v4;
	_ =	sdelay $0x1  }
0xe7: {  	v3 =	vadd.s32 v1, v3;
	_ =	sdelay $0x2  }
0xe8: {  	[tilespmem:s16], [sflag:$0x2] =	stream.indirect_vreg.gather [hbm4b:s2+s3], $0x80, v4, vm0, $0xb8;
	[tilespmem:$0x18180] =	vst v63  }
0xe9: {  	_ = 	snop  }
0xea: {  	[tilespmem:s17], [sflag:$0x2] =	stream.indirect_vreg.gather [hbm4b:s2+s3], $0x80, v3, vm0, $0xb8;
	[tilespmem:$0x18180] =	vst v63  }
0xeb: {  	v3 =	vld [tilespmem:$0x120];
	_ =	sdelay $0x4  }
0xec: {  	v58 =	vshll.u32 v3, $0x1  }
0xed: {  	v3 =	vand.u32 $0x7, v3;
	v4 =	vand.u32 $0xFFFFFFF0, v58  }
0xee: {  	v3 =	vor.u32 v3, v4  }
0xef: {  	v4 =	vperm.xlane v3, v0;
	_ =	sdelay $0x1  }
0xf0: {  	v3 =	vperm.xlane v3, v2;
	v4 =	vadd.s32 v1, v4;
	_ =	sdelay $0x1  }
0xf1: {  	v3 =	vadd.s32 v1, v3;
	_ =	sdelay $0x2  }
0xf2: {  	[tilespmem:s18], [sflag:$0x2] =	stream.indirect_vreg.gather [hbm4b:s2+s3], $0x80, v4, vm0, $0xb8;
	[tilespmem:$0x18180] =	vst v63  }
0xf3: {  	_ = 	snop  }
0xf4: {  	[tilespmem:s19], [sflag:$0x2] =	stream.indirect_vreg.gather [hbm4b:s2+s3], $0x80, v3, vm0, $0xb8;
	[tilespmem:$0x18180] =	vst v63  }
0xf5: {  	v3 =	vld [tilespmem:$0x130];
	_ =	sdelay $0x4  }
0xf6: {  	v59 =	vshll.u32 v3, $0x1  }
0xf7: {  	v3 =	vand.u32 $0x7, v3;
	v4 =	vand.u32 $0xFFFFFFF0, v59  }
0xf8: {  	v3 =	vor.u32 v3, v4  }
0xf9: {  	v4 =	vperm.xlane v3, v0;
	_ =	sdelay $0x1  }
0xfa: {  	v3 =	vperm.xlane v3, v2;
	v4 =	vadd.s32 v1, v4;
	_ =	sdelay $0x1  }
0xfb: {  	v3 =	vadd.s32 v1, v3;
	_ =	sdelay $0x2  }
0xfc: {  	[tilespmem:s20], [sflag:$0x2] =	stream.indirect_vreg.gather [hbm4b:s2+s3], $0x80, v4, vm0, $0xb8;
	[tilespmem:$0x18180] =	vst v63  }
0xfd: {  	_ = 	snop  }
0xfe: {  	[tilespmem:s21], [sflag:$0x2] =	stream.indirect_vreg.gather [hbm4b:s2+s3], $0x80, v3, vm0, $0xb8;
	[tilespmem:$0x18180] =	vst v63  }
0xff: {  	v3 =	vld [tilespmem:$0x140];
	_ =	sdelay $0x4  }
0x100: {  	v60 =	vshll.u32 v3, $0x1  }
0x101: {  	v3 =	vand.u32 $0x7, v3;
	v4 =	vand.u32 $0xFFFFFFF0, v60  }
0x102: {  	v3 =	vor.u32 v3, v4  }
0x103: {  	v4 =	vperm.xlane v3, v0;
	_ =	sdelay $0x1  }
0x104: {  	v3 =	vperm.xlane v3, v2;
	v4 =	vadd.s32 v1, v4;
	_ =	sdelay $0x1  }
0x105: {  	v3 =	vadd.s32 v1, v3;
	_ =	sdelay $0x2  }
0x106: {  	[tilespmem:s22], [sflag:$0x2] =	stream.indirect_vreg.gather [hbm4b:s2+s3], $0x80, v4, vm0, $0xb8;
	[tilespmem:$0x18180] =	vst v63  }
0x107: {  	_ = 	snop  }
0x108: {  	[tilespmem:s23], [sflag:$0x2] =	stream.indirect_vreg.gather [hbm4b:s2+s3], $0x80, v3, vm0, $0xb8;
	[tilespmem:$0x18180] =	vst v63  }
0x109: {  	v3 =	vld [tilespmem:$0x150];
	_ =	sdelay $0x4  }
0x10a: {  	v61 =	vshll.u32 v3, $0x1  }
0x10b: {  	v3 =	vand.u32 $0x7, v3;
	v4 =	vand.u32 $0xFFFFFFF0, v61  }
0x10c: {  	v3 =	vor.u32 v3, v4  }
0x10d: {  	v4 =	vperm.xlane v3, v0;
	_ =	sdelay $0x1  }
0x10e: {  	v3 =	vperm.xlane v3, v2;
	v4 =	vadd.s32 v1, v4;
	_ =	sdelay $0x1  }
0x10f: {  	v3 =	vadd.s32 v1, v3;
	_ =	sdelay $0x2  }
0x110: {  	[tilespmem:s24], [sflag:$0x2] =	stream.indirect_vreg.gather [hbm4b:s2+s3], $0x80, v4, vm0, $0xb8;
	[tilespmem:$0x18180] =	vst v63  }
0x111: {  	_ = 	snop  }
0x112: {  	[tilespmem:s25], [sflag:$0x2] =	stream.indirect_vreg.gather [hbm4b:s2+s3], $0x80, v3, vm0, $0xb8;
	[tilespmem:$0x18180] =	vst v63  }
0x113: {  	v3 =	vld [tilespmem:$0x160];
	_ =	sdelay $0x4  }
0x114: {  	v62 =	vshll.u32 v3, $0x1  }
0x115: {  	v3 =	vand.u32 $0x7, v3;
	v4 =	vand.u32 $0xFFFFFFF0, v62  }
0x116: {  	v3 =	vor.u32 v3, v4  }
0x117: {  	v4 =	vperm.xlane v3, v0;
	_ =	sdelay $0x1  }
0x118: {  	v3 =	vperm.xlane v3, v2;
	v4 =	vadd.s32 v1, v4;
	_ =	sdelay $0x1  }
0x119: {  	v3 =	vadd.s32 v1, v3;
	_ =	sdelay $0x2  }
0x11a: {  	[tilespmem:s26], [sflag:$0x2] =	stream.indirect_vreg.gather [hbm4b:s2+s3], $0x80, v4, vm0, $0xb8;
	[tilespmem:$0x18180] =	vst v63  }
0x11b: {  	_ = 	snop  }
0x11c: {  	[tilespmem:s28], [sflag:$0x2] =	stream.indirect_vreg.gather [hbm4b:s2+s3], $0x80, v3, vm0, $0xb8;
	[tilespmem:$0x18180] =	vst v63  }
0x11d: {  	v3 =	vld [tilespmem:$0x170];
	_ =	sdelay $0x4  }
0x11e: {  	v63 =	vshll.u32 v3, $0x1  }
0x11f: {  	v3 =	vand.u32 $0x7, v3;
	v4 =	vand.u32 $0xFFFFFFF0, v63  }
0x120: {  	v3 =	vor.u32 v3, v4  }
0x121: {  	v4 =	vperm.xlane v3, v0;
	_ =	sdelay $0x1  }
0x122: {  	v3 =	vperm.xlane v3, v2;
	v4 =	vadd.s32 v1, v4;
	_ =	sdelay $0x1  }
0x123: {  	v3 =	vadd.s32 v1, v3;
	_ =	sdelay $0x2  }
0x124: {  	[tilespmem:s29], [sflag:$0x2] =	stream.indirect_vreg.gather [hbm4b:s2+s3], $0x80, v4, vm0, $0xb8;
	[tilespmem:$0x18180] =	vst v63  }
0x125: {  	_ = 	snop  }
0x126: {  	[tilespmem:s30], [sflag:$0x2] =	stream.indirect_vreg.gather [hbm4b:s2+s3], $0x80, v3, vm0, $0xb8;
	[tilespmem:$0x18180] =	vst v63  }
0x127: {  	_ =	swait.ge [sflag:s31], $0xC000  }
0x128: {  	[sflag:s31] =	ssyncset.done $0x0  }
0x129: {  	s8 =	rddreg [dreg:$0x5];
	[sflag:s31] =	ssyncadd.s32 $0xFFFF4000  }
0x12a: {  	[hbm4b:s8+s3] =	stream.linear.scatter [tilespmem:s6], [sflag:$0x3], $0xC000, $0x38;
	[tilespmem:$0x18180] =	vst v63  }
0x12b: {  	_ =	swait.ge [sflag:s5], $0xC000  }
0x12c: {  	[sflag:s5] =	ssyncset.done $0x0  }
0x12d: {  	[sflag:s5] =	ssyncadd.s32 $0xFFFF4000  }
0x12e: {  	_ =	swait.ge [sflag:s1], $0xC000  }
0x12f: {  	p0 =	sne.s32 s4, $0x1;
	[sflag:s1] =	ssyncset.done $0x0  }
.Ltmp0:
0x130: {  	s8 =	rddreg [dreg:$0x6];
	[sflag:s1] =	ssyncadd.s32 $0xFFFF4000;
	(pc) =	sbr.rel @p0 .LBB2_1-.Ltmp0, $4  }
0x131: {  	[hbm4b:s8+s3] =	stream.linear.scatter [tilespmem:s7], [sflag:$0x3], $0xC000, $0x38;
	[tilespmem:$0x18180] =	vst v63  }
0x132: {  	_ =	swait.ge [sflag:s5], $0xC000  }
0x133: {  	[sflag:s5] =	ssyncset.done $0x0  }
0x134: {  	s4 =	sadd.s32 $0xFFFFFFFF, s4;
	[sflag:s5] =	ssyncadd.s32 $0xFFFF4000  }
0x135: {  	_ =	sfence.sel $0x180000  }
0x136: {  	[bflag:$0x0] =	sbarrier.arrive $0xFFFF  }
0x137: {  	_ =	strace $0x90000047  }
0x138: {  	s0 =	stileid.u32;
	[bflag:$0x2] =	sbarrier.arrive $0xFFFF  }
0x139: {  	p0 =	sne.s32 s0, $0x0;
	s0 =	rddreg [dreg:$0x3]  }
0x13a: {  	s0 =	sadd.s32 @!p0 $0x100000, s0  }
0x13b: {  	[sflag:s0] =	ssyncadd.tile.s32 @!p0 $0x1;
	_ =	shalt  }
.Lfunc_end2:
_tile_overlayer_lowered:
.L_overlay_start_2:
0x13c: {  	(tag) =	ssettag $0x2  }
0x13d: {  	s0 =	rddreg [dreg:$0x0];
	s2 =	stileid.u32  }
0x13e: {  	s1 =	rddreg [dreg:$0x1];
	p0 =	sne.s32 s2, $0x0  }
0x13f: {  	s3 =	rddreg [dreg:$0x2];
	[bflag:$0x3] =	sbarrier.arrive $0xFFFF;
	s2 =	simm.s32 @!p0 $0x1C03  }
0x140: {  	[timem:s3], [sflag:s2] =	dma.local @!p0 [hbm:s0], s1  }
0x141: {  	s0 =	simm.s32 @!p0 $0x3  }
0x142: {  	_ =	swait.ge @!p0 [sflag:s0], s1  }
0x143: {  	s1 =	ssub.s32 @!p0 $0x0, s1;
	[sflag:s0] =	ssyncset.done @!p0 $0x0  }
0x144: {  	[sflag:s0] =	ssyncadd.s32 @!p0 s1  }
0x145: {  	[bflag:$0x3] =	sbarrier.arrive $0xFFFF  }
0x146: {  	_ =	shalt  }

</sc_bundles>
